<compile_context>
chip_gen: v7x
topology: tpu7x:2x2x1
jax: 0.10.2.dev20260603
libtpu: 0.0.44.dev20260713+nightly
codegen_flags: <defaults>
</compile_context>

<pallas_src>
import jax
import jax.numpy as jnp
from jax import lax
from jax.experimental import pallas as pl
from jax.experimental.pallas import tpu as pltpu
from jax.experimental.pallas import tpu_sc as plsc

N = 10000
NPAD = 10240
E = 320000
NFEAT = 128
HID = 128
NCLASS = 64
LAMDA = 0.5

NC = 2
NS = 16
NW = NC * NS
CHUNK = 120
NCHUNK = 84
EPP = NCHUNK * CHUNK
EPAD = NW * EPP
NTRI = NCHUNK // 3
ROWBLK = 2048
NBLK = NPAD // ROWBLK


STRIPE = NPAD // NS


def _k2_body(dst_hbm, zeros_hbm, out_hbm, dstv, hist, gath, sdeg):
    c = lax.axis_index("c")
    s = lax.axis_index("s")
    wid = c * NS + s
    pltpu.sync_copy(zeros_hbm, hist)
    pltpu.sync_copy(dst_hbm.at[wid], dstv)
    ones_v = jnp.ones((16,), jnp.float32)

    def step(i, _):
        d = dstv[i]
        plsc.addupdate_scatter(hist, [d], ones_v)
        return 0

    lax.fori_loop(0, EPP // 16, step, 0)
    pltpu.sync_copy(hist, sdeg.at[s])
    plsc.subcore_barrier()
    pltpu.sync_copy(sdeg.at[:, pl.ds(s * STRIPE, STRIPE)], gath)

    def red(j, _):
        sl = pl.ds(j * 16, 16)
        v = gath[0, sl]
        for t in range(1, NS):
            v = v + gath[t, sl]
        hist[sl] = v
        return 0

    lax.fori_loop(0, STRIPE // 16, red, 0)
    pltpu.sync_copy(hist.at[pl.ds(0, STRIPE)], out_hbm.at[c, pl.ds(s * STRIPE, STRIPE)])


def _k2(dst2, zeros16):
    mesh = plsc.VectorSubcoreMesh(core_axis_name="c", subcore_axis_name="s")
    kfn = pl.kernel(
        _k2_body,
        out_type=jax.ShapeDtypeStruct((NC, NPAD), jnp.float32),
        mesh=mesh,
        scratch_types=[
            pltpu.VMEM((EPP // 16, 16), jnp.int32),
            pltpu.VMEM((NPAD,), jnp.float32),
            pltpu.VMEM((NS, STRIPE), jnp.float32),
            pltpu.VMEM_SHARED((NS, NPAD), jnp.float32),
        ],
        compiler_params=pltpu.CompilerParams(needs_layout_passes=False),
    )
    return kfn(dst2, zeros16)


def _k3_body(x_ref, we_ref, be_ref, w0_ref, b0_ref, degp_ref,
             zero_ref, dinv_ref, g_ref):
    wc = jnp.dot(we_ref[...], w0_ref[...], preferred_element_type=jnp.float32)
    bc = jnp.dot(be_ref[...], w0_ref[...], preferred_element_type=jnp.float32) + b0_ref[...]
    zero = jnp.dot(x_ref[...], wc, preferred_element_type=jnp.float32) + bc
    zero_ref[...] = zero
    deg = jnp.sum(degp_ref[...], axis=0)
    dv = lax.rsqrt(jnp.maximum(deg, 1.0))
    dinv_ref[...] = dv
    g_ref[...] = dv * zero


def _k3(xs, W_enc, b_enc, W0, b0, degp):
    return pl.pallas_call(
        _k3_body,
        grid=(NBLK,),
        in_specs=[
            pl.BlockSpec((ROWBLK, NFEAT), lambda i: (i, 0)),
            pl.BlockSpec((NFEAT, HID), lambda i: (0, 0)),
            pl.BlockSpec((1, HID), lambda i: (0, 0)),
            pl.BlockSpec((HID, HID), lambda i: (0, 0)),
            pl.BlockSpec((1, HID), lambda i: (0, 0)),
            pl.BlockSpec((NC, ROWBLK, 1), lambda i: (0, i, 0)),
        ],
        out_specs=[
            pl.BlockSpec((ROWBLK, HID), lambda i: (i, 0)),
            pl.BlockSpec((ROWBLK, 1), lambda i: (i, 0)),
            pl.BlockSpec((ROWBLK, HID), lambda i: (i, 0)),
        ],
        out_shape=[
            jax.ShapeDtypeStruct((NPAD, HID), jnp.float32),
            jax.ShapeDtypeStruct((NPAD, 1), jnp.float32),
            jax.ShapeDtypeStruct((NPAD, HID), jnp.float32),
        ],
    )(xs, W_enc, b_enc, W0, b0, degp)


def _k4_body(src_hbm, dst_hbm, g_hbm, zeros_hbm, out_hbm,
             rs0, rs1, rs2, rd0, rd1, rd2, rows0, rows1, rows2,
             sem0, sem1, sem2, ss0, ss1, ss2, sd0, sd1, sd2, acc):
    c = lax.axis_index("c")
    s = lax.axis_index("s")
    wid = c * NS + s
    pltpu.sync_copy(zeros_hbm, acc.at[pl.ds(s * (NPAD // NS), NPAD // NS)])
    plsc.subcore_barrier()

    pltpu.async_copy(src_hbm.at[wid, 0], rs0, ss0)
    pltpu.async_copy(src_hbm.at[wid, 1], rs1, ss1)
    pltpu.async_copy(src_hbm.at[wid, 2], rs2, ss2)
    pltpu.async_copy(dst_hbm.at[wid, 0], rd0, sd0)
    pltpu.async_copy(dst_hbm.at[wid, 1], rd1, sd1)
    pltpu.async_copy(dst_hbm.at[wid, 2], rd2, sd2)
    pltpu.make_async_copy(src_hbm.at[wid, 0], rs0, ss0).wait()
    pltpu.async_copy(g_hbm.at[rs0], rows0, sem0)
    pltpu.make_async_copy(src_hbm.at[wid, 0], rs1, ss1).wait()
    pltpu.async_copy(g_hbm.at[rs1], rows1, sem1)

    def step(k, rs, rd, rows, sem, ss, sdm, rsn, rowsn, semn, ssn):
        @pl.when(k + 2 < NCHUNK)
        def _():
            pltpu.make_async_copy(src_hbm.at[wid, 0], rsn, ssn).wait()
            pltpu.async_copy(g_hbm.at[rsn], rowsn, semn)

        pltpu.make_async_copy(g_hbm.at[rs], rows, sem).wait()

        @pl.when(k + 3 < NCHUNK)
        def _():
            pltpu.async_copy(src_hbm.at[wid, k + 3], rs, ss)

        pltpu.make_async_copy(dst_hbm.at[wid, 0], rd, sdm).wait()
        pltpu.sync_copy(rows, acc.at[rd], add=True)

        @pl.when(k + 3 < NCHUNK)
        def _():
            pltpu.async_copy(dst_hbm.at[wid, k + 3], rd, sdm)

    def tri(t, _):
        j = 3 * t
        step(j, rs0, rd0, rows0, sem0, ss0, sd0, rs2, rows2, sem2, ss2)
        step(j + 1, rs1, rd1, rows1, sem1, ss1, sd1, rs0, rows0, sem0, ss0)
        step(j + 2, rs2, rd2, rows2, sem2, ss2, sd2, rs1, rows1, sem1, ss1)
        return 0

    lax.fori_loop(0, NTRI, tri, 0)
    plsc.subcore_barrier()
    pltpu.sync_copy(acc.at[pl.ds(s * (NPAD // NS), NPAD // NS)], out_hbm.at[c, s])


def _k4(src2, dst2, g, zeros640):
    mesh = plsc.VectorSubcoreMesh(core_axis_name="c", subcore_axis_name="s")
    kfn = pl.kernel(
        _k4_body,
        out_type=jax.ShapeDtypeStruct((NC, NS, NPAD // NS, HID), jnp.float32),
        mesh=mesh,
        scratch_types=[
            pltpu.VMEM((CHUNK,), jnp.int32),
            pltpu.VMEM((CHUNK,), jnp.int32),
            pltpu.VMEM((CHUNK,), jnp.int32),
            pltpu.VMEM((CHUNK,), jnp.int32),
            pltpu.VMEM((CHUNK,), jnp.int32),
            pltpu.VMEM((CHUNK,), jnp.int32),
            pltpu.VMEM((CHUNK, HID), jnp.float32),
            pltpu.VMEM((CHUNK, HID), jnp.float32),
            pltpu.VMEM((CHUNK, HID), jnp.float32),
            pltpu.SemaphoreType.DMA,
            pltpu.SemaphoreType.DMA,
            pltpu.SemaphoreType.DMA,
            pltpu.SemaphoreType.DMA,
            pltpu.SemaphoreType.DMA,
            pltpu.SemaphoreType.DMA,
            pltpu.SemaphoreType.DMA,
            pltpu.SemaphoreType.DMA,
            pltpu.SemaphoreType.DMA,
            pltpu.VMEM_SHARED((NPAD, HID), jnp.float32),
        ],
        compiler_params=pltpu.CompilerParams(needs_layout_passes=False),
    )
    return kfn(src2, dst2, g, zeros640)


def _k5_body(accp_ref, dinv_ref, zero_ref, w1_ref, b1_ref, out_ref):
    acc = accp_ref[0] + accp_ref[1]
    dv = dinv_ref[...]
    beta = LAMDA
    layer = (1.0 - beta) * (dv * acc) + beta * zero_ref[...]
    f = jnp.dot(layer, w1_ref[...], preferred_element_type=jnp.float32) + b1_ref[...]
    m = jnp.max(f, axis=1, keepdims=True)
    lse = jnp.log(jnp.sum(jnp.exp(f - m), axis=1, keepdims=True)) + m
    out_ref[...] = f - lse


def _k5(accp, dinv, zero_, W1, b1):
    return pl.pallas_call(
        _k5_body,
        grid=(NBLK,),
        in_specs=[
            pl.BlockSpec((NC, ROWBLK, HID), lambda i: (0, i, 0)),
            pl.BlockSpec((ROWBLK, 1), lambda i: (i, 0)),
            pl.BlockSpec((ROWBLK, HID), lambda i: (i, 0)),
            pl.BlockSpec((HID, NCLASS), lambda i: (0, 0)),
            pl.BlockSpec((1, NCLASS), lambda i: (0, 0)),
        ],
        out_specs=pl.BlockSpec((ROWBLK, NCLASS), lambda i: (i, 0)),
        out_shape=jax.ShapeDtypeStruct((NPAD, NCLASS), jnp.float32),
    )(accp, dinv, zero_, W1, b1)


@jax.jit
def kernel(x, edge_index, W_enc, b_enc, W0, b0, W1, b1):
    xs = jnp.squeeze(x, 0)
    xs = jnp.pad(xs, ((0, NPAD - N), (0, 0)))
    pad_idx = N + (jnp.arange(EPAD - E, dtype=jnp.int32) % (NPAD - N))
    ei = jnp.concatenate([edge_index, jnp.stack([pad_idx, pad_idx])], axis=1)
    src2 = ei[0].reshape(NW, NCHUNK, CHUNK)
    dst2 = ei[1].reshape(NW, NCHUNK, CHUNK)
    dst2h = ei[1].reshape(NW, EPP // 16, 16)
    b_enc2 = b_enc.reshape(1, HID)
    b02 = b0.reshape(1, HID)
    b12 = b1.reshape(1, NCLASS)

    zeros16 = jnp.zeros((NPAD,), jnp.float32)
    degp = _k2(dst2h, zeros16)
    degp = degp.reshape(NC, NPAD, 1)

    zero_, dinv, g = _k3(xs, W_enc, b_enc2, W0, b02, degp)

    zeros640 = jnp.zeros((NPAD // NS, HID), jnp.float32)
    accp = _k4(src2, dst2, g, zeros640)
    accp = accp.reshape(NC, NPAD, HID)

    logp = _k5(accp, dinv, zero_, W1, b12)[:N]
    return (logp, jnp.float32(0.0), 0, 0)

# --- scband reference (transcript-rebuilt; emitter-appended) ---
"""Pipeline reference for scband-tsc-sgc-p-23003844837708 (READ-ONLY COPY).

The authoritative reference and input builder live on the scoring server;
editing this copy changes nothing except your own understanding.
"""

import jax, jax.numpy as jnp
import numpy as np

N = 10000
E = 320000
NFEAT = 128
HID = 128
NCLASS = 64
NLAYER = 1
LAMDA = 0.5


def setup_inputs(seed: int = 0):
    key = jax.random.key(seed)
    ks = jax.random.split(key, 8)
    x = jax.random.normal(ks[0], (1, N, NFEAT), dtype=jnp.float32)
    edge_index = jax.random.randint(ks[1], (2, E), 0, N, dtype=jnp.int32)
    W_enc = jax.random.normal(ks[2], (NFEAT, HID), dtype=jnp.float32) * 0.05
    b_enc = jnp.zeros((HID,), dtype=jnp.float32)
    W0 = jax.random.normal(ks[3], (HID, HID), dtype=jnp.float32) * 0.05
    b0 = jnp.zeros((HID,), dtype=jnp.float32)
    W1 = jax.random.normal(ks[4], (HID, NCLASS), dtype=jnp.float32) * 0.05
    b1 = jnp.zeros((NCLASS,), dtype=jnp.float32)
    return {"x": x, "edge_index": edge_index, "W_enc": W_enc, "b_enc": b_enc, "W0": W0, "b0": b0, "W1": W1, "b1": b1}


def _propagate(h, src, dst):
    # symmetric-normalized sparse A @ h via gather + scatter-add
    deg = jnp.bincount(dst, length=N).astype(jnp.float32)
    dinv = 1.0 / jnp.sqrt(jnp.clip(deg, 1.0, None))
    w = dinv[src] * dinv[dst]
    msg = h[src] * w[:, None]
    return jnp.zeros((N, h.shape[1]), dtype=h.dtype).at[dst].add(msg)


def reference(x, edge_index, W_enc, b_enc, W0, b0, W1, b1):
    xs = jnp.squeeze(x, 0)
    src = edge_index[0]
    dst = edge_index[1]
    zero = xs @ W_enc + b_enc
    zero_ = zero @ W0 + b0
    layer_inner = zero_
    loss = jnp.float32(0.0)
    for i in range(NLAYER):
        l = i + 1
        beta = LAMDA / l
        agg = _propagate(layer_inner, src, dst)
        layer_inner = (1.0 - beta) * agg + beta * layer_inner
        # with args.nlayer=1 and args.k=2, self.k = [] (2**0 = 1 is not < 1),
        # so bind_loss is never triggered and loss stays 0, matching the torch code.
    finnal = layer_inner @ W1 + b1
    logp = jax.nn.log_softmax(finnal, axis=1)
    return (logp, loss, 0, 0)

if __name__ == "__main__":
    import jax
    _d = setup_inputs()
    print(jax.jit(kernel)(*tuple(_d.values())))

</pallas_src>

<mosaic_0001>
#map = affine_map<(d0, d1) -> (0, 0, 0)>
#map1 = affine_map<(d0, d1) -> (0, 0)>
#map2 = affine_map<(d0, d1) -> (0, 0, 0, 0)>
module attributes {stable_mosaic.version = 14 : i64} {
  func.func @_k4_body(%arg0: i32, %arg1: i32, %arg2: memref<32x84x120xi32, #tpu.memory_space<hbm>>, %arg3: memref<32x84x120xi32, #tpu.memory_space<hbm>>, %arg4: memref<10240x128xf32, #tpu.memory_space<hbm>>, %arg5: memref<640x128xf32, #tpu.memory_space<hbm>>, %arg6: memref<2x16x640x128xf32, #tpu.memory_space<hbm>>, %arg7: memref<120xi32, #tpu.memory_space<vmem>>, %arg8: memref<120xi32, #tpu.memory_space<vmem>>, %arg9: memref<120xi32, #tpu.memory_space<vmem>>, %arg10: memref<120xi32, #tpu.memory_space<vmem>>, %arg11: memref<120xi32, #tpu.memory_space<vmem>>, %arg12: memref<120xi32, #tpu.memory_space<vmem>>, %arg13: memref<120x128xf32, #tpu.memory_space<vmem>>, %arg14: memref<120x128xf32, #tpu.memory_space<vmem>>, %arg15: memref<120x128xf32, #tpu.memory_space<vmem>>, %arg16: memref<!tpu.dma_semaphore, #tpu.memory_space<semaphore_mem>>, %arg17: memref<!tpu.dma_semaphore, #tpu.memory_space<semaphore_mem>>, %arg18: memref<!tpu.dma_semaphore, #tpu.memory_space<semaphore_mem>>, %arg19: memref<!tpu.dma_semaphore, #tpu.memory_space<semaphore_mem>>, %arg20: memref<!tpu.dma_semaphore, #tpu.memory_space<semaphore_mem>>, %arg21: memref<!tpu.dma_semaphore, #tpu.memory_space<semaphore_mem>>, %arg22: memref<!tpu.dma_semaphore, #tpu.memory_space<semaphore_mem>>, %arg23: memref<!tpu.dma_semaphore, #tpu.memory_space<semaphore_mem>>, %arg24: memref<!tpu.dma_semaphore, #tpu.memory_space<semaphore_mem>>, %arg25: memref<10240x128xf32, #tpu.memory_space<vmem_shared>>) attributes {dimension_semantics = [#tpu.dimension_semantics<core_parallel>, #tpu.dimension_semantics<subcore_parallel>], iteration_bounds = array<i64: 2, 16>, scalar_prefetch = 0 : i64, scratch_operands = 19 : i64, tpu.core_type = #tpu.core_type<sc_vector_subcore>, window_params = [{transform_indices = #map}, {transform_indices = #map}, {transform_indices = #map1}, {transform_indices = #map1}, {transform_indices = #map2}]} {
    %mul3A = arith.constant 16 : i32
    %mul3A_0 = arith.muli %arg0, %mul3A : i32
    %add3A = arith.addi %mul3A_0, %arg1 : i32
    %mul3A_1 = arith.constant 640 : i32
    %mul3A_2 = arith.muli %arg1, %mul3A_1 : i32
    "tpu.region"() ({
      %run_scoped3A = tpu.sem_alloc : memref<!tpu.dma_semaphore, #tpu.memory_space<semaphore_mem>>
      %dma_start3A_72 = arith.constant 0 : i32
      %dma_start3A_73 = tpu.memref_slice %arg25[%mul3A_2, %dma_start3A_72] : memref<10240x128xf32, #tpu.memory_space<vmem_shared>> -> memref<640x128xf32, #tpu.memory_space<vmem_shared>>
      tpu.enqueue_dma source(%arg5 : memref<640x128xf32, #tpu.memory_space<hbm>>) target(%dma_start3A_73 : memref<640x128xf32, #tpu.memory_space<vmem_shared>>) target_semaphore(%run_scoped3A : memref<!tpu.dma_semaphore, #tpu.memory_space<semaphore_mem>>)
      %dma_wait3A_74 = arith.constant 0 : i32
      %dma_wait3A_75 = tpu.memref_slice %arg25[%mul3A_2, %dma_wait3A_74] : memref<10240x128xf32, #tpu.memory_space<vmem_shared>> -> memref<640x128xf32, #tpu.memory_space<vmem_shared>>
      tpu.wait_dma2 semaphore(%run_scoped3A : memref<!tpu.dma_semaphore, #tpu.memory_space<semaphore_mem>>) src(%arg5 : memref<640x128xf32, #tpu.memory_space<hbm>>) dst(%dma_wait3A_75 : memref<640x128xf32, #tpu.memory_space<vmem_shared>>)
      tpu.yield
    }) : () -> ()
    %barrier3A = arith.constant 0 : index
    tpu.barrier barrier_id(%barrier3A)
    %dma_start3A = arith.constant 0 : i32
    %dma_start3A_3 = arith.constant 0 : i32
    %dma_start3A_4 = tpu.memref_slice %arg2[%add3A, %dma_start3A, %dma_start3A_3] : memref<32x84x120xi32, #tpu.memory_space<hbm>> -> memref<1x1x120xi32, #tpu.memory_space<hbm>>
    %dma_start3A_5 = tpu.memref_squeeze %dma_start3A_4 : memref<1x1x120xi32, #tpu.memory_space<hbm>> -> memref<120xi32, #tpu.memory_space<hbm>>
    %dma_start3A_6 = arith.constant 0 : i32
    %dma_start3A_7 = tpu.memref_slice %arg2[%add3A, %dma_start3A, %dma_start3A_6] : memref<32x84x120xi32, #tpu.memory_space<hbm>> -> memref<1x1x120xi32, #tpu.memory_space<hbm>>
    %dma_start3A_8 = tpu.memref_squeeze %dma_start3A_7 : memref<1x1x120xi32, #tpu.memory_space<hbm>> -> memref<120xi32, #tpu.memory_space<hbm>>
    tpu.enqueue_dma source(%dma_start3A_8 : memref<120xi32, #tpu.memory_space<hbm>>) target(%arg7 : memref<120xi32, #tpu.memory_space<vmem>>) target_semaphore(%arg19 : memref<!tpu.dma_semaphore, #tpu.memory_space<semaphore_mem>>)
    %dma_start3A_9 = arith.constant 1 : i32
    %dma_start3A_10 = arith.constant 0 : i32
    %dma_start3A_11 = tpu.memref_slice %arg2[%add3A, %dma_start3A_9, %dma_start3A_10] : memref<32x84x120xi32, #tpu.memory_space<hbm>> -> memref<1x1x120xi32, #tpu.memory_space<hbm>>
    %dma_start3A_12 = tpu.memref_squeeze %dma_start3A_11 : memref<1x1x120xi32, #tpu.memory_space<hbm>> -> memref<120xi32, #tpu.memory_space<hbm>>
    %dma_start3A_13 = arith.constant 0 : i32
    %dma_start3A_14 = tpu.memref_slice %arg2[%add3A, %dma_start3A_9, %dma_start3A_13] : memref<32x84x120xi32, #tpu.memory_space<hbm>> -> memref<1x1x120xi32, #tpu.memory_space<hbm>>
    %dma_start3A_15 = tpu.memref_squeeze %dma_start3A_14 : memref<1x1x120xi32, #tpu.memory_space<hbm>> -> memref<120xi32, #tpu.memory_space<hbm>>
    tpu.enqueue_dma source(%dma_start3A_15 : memref<120xi32, #tpu.memory_space<hbm>>) target(%arg8 : memref<120xi32, #tpu.memory_space<vmem>>) target_semaphore(%arg20 : memref<!tpu.dma_semaphore, #tpu.memory_space<semaphore_mem>>)
    %dma_start3A_16 = arith.constant 2 : i32
    %dma_start3A_17 = arith.constant 0 : i32
    %dma_start3A_18 = tpu.memref_slice %arg2[%add3A, %dma_start3A_16, %dma_start3A_17] : memref<32x84x120xi32, #tpu.memory_space<hbm>> -> memref<1x1x120xi32, #tpu.memory_space<hbm>>
    %dma_start3A_19 = tpu.memref_squeeze %dma_start3A_18 : memref<1x1x120xi32, #tpu.memory_space<hbm>> -> memref<120xi32, #tpu.memory_space<hbm>>
    %dma_start3A_20 = arith.constant 0 : i32
    %dma_start3A_21 = tpu.memref_slice %arg2[%add3A, %dma_start3A_16, %dma_start3A_20] : memref<32x84x120xi32, #tpu.memory_space<hbm>> -> memref<1x1x120xi32, #tpu.memory_space<hbm>>
    %dma_start3A_22 = tpu.memref_squeeze %dma_start3A_21 : memref<1x1x120xi32, #tpu.memory_space<hbm>> -> memref<120xi32, #tpu.memory_space<hbm>>
    tpu.enqueue_dma source(%dma_start3A_22 : memref<120xi32, #tpu.memory_space<hbm>>) target(%arg9 : memref<120xi32, #tpu.memory_space<vmem>>) target_semaphore(%arg21 : memref<!tpu.dma_semaphore, #tpu.memory_space<semaphore_mem>>)
    %dma_start3A_23 = arith.constant 0 : i32
    %dma_start3A_24 = arith.constant 0 : i32
    %dma_start3A_25 = tpu.memref_slice %arg3[%add3A, %dma_start3A_23, %dma_start3A_24] : memref<32x84x120xi32, #tpu.memory_space<hbm>> -> memref<1x1x120xi32, #tpu.memory_space<hbm>>
    %dma_start3A_26 = tpu.memref_squeeze %dma_start3A_25 : memref<1x1x120xi32, #tpu.memory_space<hbm>> -> memref<120xi32, #tpu.memory_space<hbm>>
    %dma_start3A_27 = arith.constant 0 : i32
    %dma_start3A_28 = tpu.memref_slice %arg3[%add3A, %dma_start3A_23, %dma_start3A_27] : memref<32x84x120xi32, #tpu.memory_space<hbm>> -> memref<1x1x120xi32, #tpu.memory_space<hbm>>
    %dma_start3A_29 = tpu.memref_squeeze %dma_start3A_28 : memref<1x1x120xi32, #tpu.memory_space<hbm>> -> memref<120xi32, #tpu.memory_space<hbm>>
    tpu.enqueue_dma source(%dma_start3A_29 : memref<120xi32, #tpu.memory_space<hbm>>) target(%arg10 : memref<120xi32, #tpu.memory_space<vmem>>) target_semaphore(%arg22 : memref<!tpu.dma_semaphore, #tpu.memory_space<semaphore_mem>>)
    %dma_start3A_30 = arith.constant 1 : i32
    %dma_start3A_31 = arith.constant 0 : i32
    %dma_start3A_32 = tpu.memref_slice %arg3[%add3A, %dma_start3A_30, %dma_start3A_31] : memref<32x84x120xi32, #tpu.memory_space<hbm>> -> memref<1x1x120xi32, #tpu.memory_space<hbm>>
    %dma_start3A_33 = tpu.memref_squeeze %dma_start3A_32 : memref<1x1x120xi32, #tpu.memory_space<hbm>> -> memref<120xi32, #tpu.memory_space<hbm>>
    %dma_start3A_34 = arith.constant 0 : i32
    %dma_start3A_35 = tpu.memref_slice %arg3[%add3A, %dma_start3A_30, %dma_start3A_34] : memref<32x84x120xi32, #tpu.memory_space<hbm>> -> memref<1x1x120xi32, #tpu.memory_space<hbm>>
    %dma_start3A_36 = tpu.memref_squeeze %dma_start3A_35 : memref<1x1x120xi32, #tpu.memory_space<hbm>> -> memref<120xi32, #tpu.memory_space<hbm>>
    tpu.enqueue_dma source(%dma_start3A_36 : memref<120xi32, #tpu.memory_space<hbm>>) target(%arg11 : memref<120xi32, #tpu.memory_space<vmem>>) target_semaphore(%arg23 : memref<!tpu.dma_semaphore, #tpu.memory_space<semaphore_mem>>)
    %dma_start3A_37 = arith.constant 2 : i32
    %dma_start3A_38 = arith.constant 0 : i32
    %dma_start3A_39 = tpu.memref_slice %arg3[%add3A, %dma_start3A_37, %dma_start3A_38] : memref<32x84x120xi32, #tpu.memory_space<hbm>> -> memref<1x1x120xi32, #tpu.memory_space<hbm>>
    %dma_start3A_40 = tpu.memref_squeeze %dma_start3A_39 : memref<1x1x120xi32, #tpu.memory_space<hbm>> -> memref<120xi32, #tpu.memory_space<hbm>>
    %dma_start3A_41 = arith.constant 0 : i32
    %dma_start3A_42 = tpu.memref_slice %arg3[%add3A, %dma_start3A_37, %dma_start3A_41] : memref<32x84x120xi32, #tpu.memory_space<hbm>> -> memref<1x1x120xi32, #tpu.memory_space<hbm>>
    %dma_start3A_43 = tpu.memref_squeeze %dma_start3A_42 : memref<1x1x120xi32, #tpu.memory_space<hbm>> -> memref<120xi32, #tpu.memory_space<hbm>>
    tpu.enqueue_dma source(%dma_start3A_43 : memref<120xi32, #tpu.memory_space<hbm>>) target(%arg12 : memref<120xi32, #tpu.memory_space<vmem>>) target_semaphore(%arg24 : memref<!tpu.dma_semaphore, #tpu.memory_space<semaphore_mem>>)
    %dma_wait3A = arith.constant 0 : i32
    %dma_wait3A_44 = arith.constant 0 : i32
    %dma_wait3A_45 = tpu.memref_slice %arg2[%add3A, %dma_wait3A, %dma_wait3A_44] : memref<32x84x120xi32, #tpu.memory_space<hbm>> -> memref<1x1x120xi32, #tpu.memory_space<hbm>>
    %dma_wait3A_46 = tpu.memref_squeeze %dma_wait3A_45 : memref<1x1x120xi32, #tpu.memory_space<hbm>> -> memref<120xi32, #tpu.memory_space<hbm>>
    %dma_wait3A_47 = arith.constant 0 : i32
    %dma_wait3A_48 = tpu.memref_slice %arg2[%add3A, %dma_wait3A, %dma_wait3A_47] : memref<32x84x120xi32, #tpu.memory_space<hbm>> -> memref<1x1x120xi32, #tpu.memory_space<hbm>>
    %dma_wait3A_49 = tpu.memref_squeeze %dma_wait3A_48 : memref<1x1x120xi32, #tpu.memory_space<hbm>> -> memref<120xi32, #tpu.memory_space<hbm>>
    tpu.wait_dma2 semaphore(%arg19 : memref<!tpu.dma_semaphore, #tpu.memory_space<semaphore_mem>>) src(%dma_wait3A_49 : memref<120xi32, #tpu.memory_space<hbm>>) dst(%arg7 : memref<120xi32, #tpu.memory_space<vmem>>)
    %dma_start3A_50 = arith.constant 0 : i32
    %dma_start3A_51 = arith.constant 0 : i32
    %dma_start3A_52 = tpu.memref_slice %arg4[%dma_start3A_50, %dma_start3A_51] : memref<10240x128xf32, #tpu.memory_space<hbm>> -> memref<10240x128xf32, #tpu.memory_space<hbm>>
    tpu.enqueue_indirect_dma source(%dma_start3A_52 : memref<10240x128xf32, #tpu.memory_space<hbm>>) target(%arg13 : memref<120x128xf32, #tpu.memory_space<vmem>>) offsets(%arg7 : memref<120xi32, #tpu.memory_space<vmem>>) semaphore(%arg16 : memref<!tpu.dma_semaphore, #tpu.memory_space<semaphore_mem>>)
    %dma_wait3A_53 = arith.constant 0 : i32
    %dma_wait3A_54 = arith.constant 0 : i32
    %dma_wait3A_55 = tpu.memref_slice %arg2[%add3A, %dma_wait3A_53, %dma_wait3A_54] : memref<32x84x120xi32, #tpu.memory_space<hbm>> -> memref<1x1x120xi32, #tpu.memory_space<hbm>>
    %dma_wait3A_56 = tpu.memref_squeeze %dma_wait3A_55 : memref<1x1x120xi32, #tpu.memory_space<hbm>> -> memref<120xi32, #tpu.memory_space<hbm>>
    %dma_wait3A_57 = arith.constant 0 : i32
    %dma_wait3A_58 = tpu.memref_slice %arg2[%add3A, %dma_wait3A_53, %dma_wait3A_57] : memref<32x84x120xi32, #tpu.memory_space<hbm>> -> memref<1x1x120xi32, #tpu.memory_space<hbm>>
    %dma_wait3A_59 = tpu.memref_squeeze %dma_wait3A_58 : memref<1x1x120xi32, #tpu.memory_space<hbm>> -> memref<120xi32, #tpu.memory_space<hbm>>
    tpu.wait_dma2 semaphore(%arg20 : memref<!tpu.dma_semaphore, #tpu.memory_space<semaphore_mem>>) src(%dma_wait3A_59 : memref<120xi32, #tpu.memory_space<hbm>>) dst(%arg8 : memref<120xi32, #tpu.memory_space<vmem>>)
    %dma_start3A_60 = arith.constant 0 : i32
    %dma_start3A_61 = arith.constant 0 : i32
    %dma_start3A_62 = tpu.memref_slice %arg4[%dma_start3A_60, %dma_start3A_61] : memref<10240x128xf32, #tpu.memory_space<hbm>> -> memref<10240x128xf32, #tpu.memory_space<hbm>>
    tpu.enqueue_indirect_dma source(%dma_start3A_62 : memref<10240x128xf32, #tpu.memory_space<hbm>>) target(%arg14 : memref<120x128xf32, #tpu.memory_space<vmem>>) offsets(%arg8 : memref<120xi32, #tpu.memory_space<vmem>>) semaphore(%arg17 : memref<!tpu.dma_semaphore, #tpu.memory_space<semaphore_mem>>)
    %scan3A = arith.constant 0 : i32
    %scan3A_63 = arith.constant 0 : i32
    %scan3A_64 = arith.constant 28 : i32
    %scan3A_65 = arith.addi %scan3A_63, %scan3A_64 : i32
    %scan3A_66 = arith.constant 1 : i32
    %scan3A_67 = scf.for %scan3A_72 = %scan3A_63 to %scan3A_65 step %scan3A_66 iter_args(%scan3A_73 = %scan3A) -> (i32)  : i32 {
      %mul3A_74 = arith.constant 3 : i32
      %mul3A_75 = arith.muli %mul3A_74, %scan3A_72 : i32
      %add3A_76 = arith.constant 2 : i32
      %add3A_77 = arith.addi %mul3A_75, %add3A_76 : i32
      %lt3A = arith.constant 84 : i32
      %lt3A_78 = arith.cmpi slt, %add3A_77, %lt3A : i32
      %convert_element_type3A = arith.extui %lt3A_78 : i1 to i32
      %cond3A = arith.constant 0 : i32
      %cond3A_79 = arith.cmpi ne, %convert_element_type3A, %cond3A : i32
      scf.if %cond3A_79 {
        %dma_wait3A_171 = arith.constant 0 : i32
        %dma_wait3A_172 = arith.constant 0 : i32
        %dma_wait3A_173 = tpu.memref_slice %arg2[%add3A, %dma_wait3A_171, %dma_wait3A_172] : memref<32x84x120xi32, #tpu.memory_space<hbm>> -> memref<1x1x120xi32, #tpu.memory_space<hbm>>
        %dma_wait3A_174 = tpu.memref_squeeze %dma_wait3A_173 : memref<1x1x120xi32, #tpu.memory_space<hbm>> -> memref<120xi32, #tpu.memory_space<hbm>>
        %dma_wait3A_175 = arith.constant 0 : i32
        %dma_wait3A_176 = tpu.memref_slice %arg2[%add3A, %dma_wait3A_171, %dma_wait3A_175] : memref<32x84x120xi32, #tpu.memory_space<hbm>> -> memref<1x1x120xi32, #tpu.memory_space<hbm>>
        %dma_wait3A_177 = tpu.memref_squeeze %dma_wait3A_176 : memref<1x1x120xi32, #tpu.memory_space<hbm>> -> memref<120xi32, #tpu.memory_space<hbm>>
        tpu.wait_dma2 semaphore(%arg21 : memref<!tpu.dma_semaphore, #tpu.memory_space<semaphore_mem>>) src(%dma_wait3A_177 : memref<120xi32, #tpu.memory_space<hbm>>) dst(%arg9 : memref<120xi32, #tpu.memory_space<vmem>>)
        %dma_start3A_178 = arith.constant 0 : i32
        %dma_start3A_179 = arith.constant 0 : i32
        %dma_start3A_180 = tpu.memref_slice %arg4[%dma_start3A_178, %dma_start3A_179] : memref<10240x128xf32, #tpu.memory_space<hbm>> -> memref<10240x128xf32, #tpu.memory_space<hbm>>
        tpu.enqueue_indirect_dma source(%dma_start3A_180 : memref<10240x128xf32, #tpu.memory_space<hbm>>) target(%arg15 : memref<120x128xf32, #tpu.memory_space<vmem>>) offsets(%arg9 : memref<120xi32, #tpu.memory_space<vmem>>) semaphore(%arg18 : memref<!tpu.dma_semaphore, #tpu.memory_space<semaphore_mem>>)
      } else {
      }
      %dma_wait3A_80 = arith.constant 0 : i32
      %dma_wait3A_81 = arith.constant 0 : i32
      %dma_wait3A_82 = tpu.memref_slice %arg4[%dma_wait3A_80, %dma_wait3A_81] : memref<10240x128xf32, #tpu.memory_space<hbm>> -> memref<10240x128xf32, #tpu.memory_space<hbm>>
      tpu.wait_indirect_dma semaphore(%arg16 : memref<!tpu.dma_semaphore, #tpu.memory_space<semaphore_mem>>) src(%dma_wait3A_82 : memref<10240x128xf32, #tpu.memory_space<hbm>>) dst(%arg13 : memref<120x128xf32, #tpu.memory_space<vmem>>)
      %add3A_83 = arith.constant 3 : i32
      %add3A_84 = arith.addi %mul3A_75, %add3A_83 : i32
      %lt3A_85 = arith.constant 84 : i32
      %lt3A_86 = arith.cmpi slt, %add3A_84, %lt3A_85 : i32
      %convert_element_type3A_87 = arith.extui %lt3A_86 : i1 to i32
      %cond3A_88 = arith.constant 0 : i32
      %cond3A_89 = arith.cmpi ne, %convert_element_type3A_87, %cond3A_88 : i32
      scf.if %cond3A_89 {
        %add3A_171 = arith.constant 3 : i32
        %add3A_172 = arith.addi %mul3A_75, %add3A_171 : i32
        %dma_start3A_173 = arith.constant 0 : i32
        %dma_start3A_174 = tpu.memref_slice %arg2[%add3A, %add3A_172, %dma_start3A_173] : memref<32x84x120xi32, #tpu.memory_space<hbm>> -> memref<1x1x120xi32, #tpu.memory_space<hbm>>
        %dma_start3A_175 = tpu.memref_squeeze %dma_start3A_174 : memref<1x1x120xi32, #tpu.memory_space<hbm>> -> memref<120xi32, #tpu.memory_space<hbm>>
        %dma_start3A_176 = arith.constant 0 : i32
        %dma_start3A_177 = tpu.memref_slice %arg2[%add3A, %add3A_172, %dma_start3A_176] : memref<32x84x120xi32, #tpu.memory_space<hbm>> -> memref<1x1x120xi32, #tpu.memory_space<hbm>>
        %dma_start3A_178 = tpu.memref_squeeze %dma_start3A_177 : memref<1x1x120xi32, #tpu.memory_space<hbm>> -> memref<120xi32, #tpu.memory_space<hbm>>
        tpu.enqueue_dma source(%dma_start3A_178 : memref<120xi32, #tpu.memory_space<hbm>>) target(%arg7 : memref<120xi32, #tpu.memory_space<vmem>>) target_semaphore(%arg19 : memref<!tpu.dma_semaphore, #tpu.memory_space<semaphore_mem>>)
      } else {
      }
      %dma_wait3A_90 = arith.constant 0 : i32
      %dma_wait3A_91 = arith.constant 0 : i32
      %dma_wait3A_92 = tpu.memref_slice %arg3[%add3A, %dma_wait3A_90, %dma_wait3A_91] : memref<32x84x120xi32, #tpu.memory_space<hbm>> -> memref<1x1x120xi32, #tpu.memory_space<hbm>>
      %dma_wait3A_93 = tpu.memref_squeeze %dma_wait3A_92 : memref<1x1x120xi32, #tpu.memory_space<hbm>> -> memref<120xi32, #tpu.memory_space<hbm>>
      %dma_wait3A_94 = arith.constant 0 : i32
      %dma_wait3A_95 = tpu.memref_slice %arg3[%add3A, %dma_wait3A_90, %dma_wait3A_94] : memref<32x84x120xi32, #tpu.memory_space<hbm>> -> memref<1x1x120xi32, #tpu.memory_space<hbm>>
      %dma_wait3A_96 = tpu.memref_squeeze %dma_wait3A_95 : memref<1x1x120xi32, #tpu.memory_space<hbm>> -> memref<120xi32, #tpu.memory_space<hbm>>
      tpu.wait_dma2 semaphore(%arg22 : memref<!tpu.dma_semaphore, #tpu.memory_space<semaphore_mem>>) src(%dma_wait3A_96 : memref<120xi32, #tpu.memory_space<hbm>>) dst(%arg10 : memref<120xi32, #tpu.memory_space<vmem>>)
      "tpu.region"() ({
        %run_scoped3A = tpu.sem_alloc : memref<!tpu.dma_semaphore, #tpu.memory_space<semaphore_mem>>
        %dma_start3A_171 = arith.constant 0 : i32
        %dma_start3A_172 = arith.constant 0 : i32
        %dma_start3A_173 = tpu.memref_slice %arg25[%dma_start3A_171, %dma_start3A_172] : memref<10240x128xf32, #tpu.memory_space<vmem_shared>> -> memref<10240x128xf32, #tpu.memory_space<vmem_shared>>
        tpu.enqueue_indirect_dma source(%arg13 : memref<120x128xf32, #tpu.memory_space<vmem>>) target(%dma_start3A_173 : memref<10240x128xf32, #tpu.memory_space<vmem_shared>>) offsets(%arg10 : memref<120xi32, #tpu.memory_space<vmem>>) semaphore(%run_scoped3A : memref<!tpu.dma_semaphore, #tpu.memory_space<semaphore_mem>>) {add = true}
        %dma_wait3A_174 = arith.constant 0 : i32
        %dma_wait3A_175 = arith.constant 0 : i32
        %dma_wait3A_176 = tpu.memref_slice %arg25[%dma_wait3A_174, %dma_wait3A_175] : memref<10240x128xf32, #tpu.memory_space<vmem_shared>> -> memref<10240x128xf32, #tpu.memory_space<vmem_shared>>
        tpu.wait_indirect_dma semaphore(%run_scoped3A : memref<!tpu.dma_semaphore, #tpu.memory_space<semaphore_mem>>) src(%arg13 : memref<120x128xf32, #tpu.memory_space<vmem>>) dst(%dma_wait3A_176 : memref<10240x128xf32, #tpu.memory_space<vmem_shared>>)
        tpu.yield
      }) : () -> ()
      %add3A_97 = arith.constant 3 : i32
      %add3A_98 = arith.addi %mul3A_75, %add3A_97 : i32
      %lt3A_99 = arith.constant 84 : i32
      %lt3A_100 = arith.cmpi slt, %add3A_98, %lt3A_99 : i32
      %convert_element_type3A_101 = arith.extui %lt3A_100 : i1 to i32
      %cond3A_102 = arith.constant 0 : i32
      %cond3A_103 = arith.cmpi ne, %convert_element_type3A_101, %cond3A_102 : i32
      scf.if %cond3A_103 {
        %add3A_171 = arith.constant 3 : i32
        %add3A_172 = arith.addi %mul3A_75, %add3A_171 : i32
        %dma_start3A_173 = arith.constant 0 : i32
        %dma_start3A_174 = tpu.memref_slice %arg3[%add3A, %add3A_172, %dma_start3A_173] : memref<32x84x120xi32, #tpu.memory_space<hbm>> -> memref<1x1x120xi32, #tpu.memory_space<hbm>>
        %dma_start3A_175 = tpu.memref_squeeze %dma_start3A_174 : memref<1x1x120xi32, #tpu.memory_space<hbm>> -> memref<120xi32, #tpu.memory_space<hbm>>
        %dma_start3A_176 = arith.constant 0 : i32
        %dma_start3A_177 = tpu.memref_slice %arg3[%add3A, %add3A_172, %dma_start3A_176] : memref<32x84x120xi32, #tpu.memory_space<hbm>> -> memref<1x1x120xi32, #tpu.memory_space<hbm>>
        %dma_start3A_178 = tpu.memref_squeeze %dma_start3A_177 : memref<1x1x120xi32, #tpu.memory_space<hbm>> -> memref<120xi32, #tpu.memory_space<hbm>>
        tpu.enqueue_dma source(%dma_start3A_178 : memref<120xi32, #tpu.memory_space<hbm>>) target(%arg10 : memref<120xi32, #tpu.memory_space<vmem>>) target_semaphore(%arg22 : memref<!tpu.dma_semaphore, #tpu.memory_space<semaphore_mem>>)
      } else {
      }
      %add3A_104 = arith.constant 1 : i32
      %add3A_105 = arith.addi %mul3A_75, %add3A_104 : i32
      %add3A_106 = arith.constant 2 : i32
      %add3A_107 = arith.addi %add3A_105, %add3A_106 : i32
      %lt3A_108 = arith.constant 84 : i32
      %lt3A_109 = arith.cmpi slt, %add3A_107, %lt3A_108 : i32
      %convert_element_type3A_110 = arith.extui %lt3A_109 : i1 to i32
      %cond3A_111 = arith.constant 0 : i32
      %cond3A_112 = arith.cmpi ne, %convert_element_type3A_110, %cond3A_111 : i32
      scf.if %cond3A_112 {
        %dma_wait3A_171 = arith.constant 0 : i32
        %dma_wait3A_172 = arith.constant 0 : i32
        %dma_wait3A_173 = tpu.memref_slice %arg2[%add3A, %dma_wait3A_171, %dma_wait3A_172] : memref<32x84x120xi32, #tpu.memory_space<hbm>> -> memref<1x1x120xi32, #tpu.memory_space<hbm>>
        %dma_wait3A_174 = tpu.memref_squeeze %dma_wait3A_173 : memref<1x1x120xi32, #tpu.memory_space<hbm>> -> memref<120xi32, #tpu.memory_space<hbm>>
        %dma_wait3A_175 = arith.constant 0 : i32
        %dma_wait3A_176 = tpu.memref_slice %arg2[%add3A, %dma_wait3A_171, %dma_wait3A_175] : memref<32x84x120xi32, #tpu.memory_space<hbm>> -> memref<1x1x120xi32, #tpu.memory_space<hbm>>
        %dma_wait3A_177 = tpu.memref_squeeze %dma_wait3A_176 : memref<1x1x120xi32, #tpu.memory_space<hbm>> -> memref<120xi32, #tpu.memory_space<hbm>>
        tpu.wait_dma2 semaphore(%arg19 : memref<!tpu.dma_semaphore, #tpu.memory_space<semaphore_mem>>) src(%dma_wait3A_177 : memref<120xi32, #tpu.memory_space<hbm>>) dst(%arg7 : memref<120xi32, #tpu.memory_space<vmem>>)
        %dma_start3A_178 = arith.constant 0 : i32
        %dma_start3A_179 = arith.constant 0 : i32
        %dma_start3A_180 = tpu.memref_slice %arg4[%dma_start3A_178, %dma_start3A_179] : memref<10240x128xf32, #tpu.memory_space<hbm>> -> memref<10240x128xf32, #tpu.memory_space<hbm>>
        tpu.enqueue_indirect_dma source(%dma_start3A_180 : memref<10240x128xf32, #tpu.memory_space<hbm>>) target(%arg13 : memref<120x128xf32, #tpu.memory_space<vmem>>) offsets(%arg7 : memref<120xi32, #tpu.memory_space<vmem>>) semaphore(%arg16 : memref<!tpu.dma_semaphore, #tpu.memory_space<semaphore_mem>>)
      } else {
      }
      %dma_wait3A_113 = arith.constant 0 : i32
      %dma_wait3A_114 = arith.constant 0 : i32
      %dma_wait3A_115 = tpu.memref_slice %arg4[%dma_wait3A_113, %dma_wait3A_114] : memref<10240x128xf32, #tpu.memory_space<hbm>> -> memref<10240x128xf32, #tpu.memory_space<hbm>>
      tpu.wait_indirect_dma semaphore(%arg17 : memref<!tpu.dma_semaphore, #tpu.memory_space<semaphore_mem>>) src(%dma_wait3A_115 : memref<10240x128xf32, #tpu.memory_space<hbm>>) dst(%arg14 : memref<120x128xf32, #tpu.memory_space<vmem>>)
      %add3A_116 = arith.constant 3 : i32
      %add3A_117 = arith.addi %add3A_105, %add3A_116 : i32
      %lt3A_118 = arith.constant 84 : i32
      %lt3A_119 = arith.cmpi slt, %add3A_117, %lt3A_118 : i32
      %convert_element_type3A_120 = arith.extui %lt3A_119 : i1 to i32
      %cond3A_121 = arith.constant 0 : i32
      %cond3A_122 = arith.cmpi ne, %convert_element_type3A_120, %cond3A_121 : i32
      scf.if %cond3A_122 {
        %add3A_171 = arith.constant 3 : i32
        %add3A_172 = arith.addi %add3A_105, %add3A_171 : i32
        %dma_start3A_173 = arith.constant 0 : i32
        %dma_start3A_174 = tpu.memref_slice %arg2[%add3A, %add3A_172, %dma_start3A_173] : memref<32x84x120xi32, #tpu.memory_space<hbm>> -> memref<1x1x120xi32, #tpu.memory_space<hbm>>
        %dma_start3A_175 = tpu.memref_squeeze %dma_start3A_174 : memref<1x1x120xi32, #tpu.memory_space<hbm>> -> memref<120xi32, #tpu.memory_space<hbm>>
        %dma_start3A_176 = arith.constant 0 : i32
        %dma_start3A_177 = tpu.memref_slice %arg2[%add3A, %add3A_172, %dma_start3A_176] : memref<32x84x120xi32, #tpu.memory_space<hbm>> -> memref<1x1x120xi32, #tpu.memory_space<hbm>>
        %dma_start3A_178 = tpu.memref_squeeze %dma_start3A_177 : memref<1x1x120xi32, #tpu.memory_space<hbm>> -> memref<120xi32, #tpu.memory_space<hbm>>
        tpu.enqueue_dma source(%dma_start3A_178 : memref<120xi32, #tpu.memory_space<hbm>>) target(%arg8 : memref<120xi32, #tpu.memory_space<vmem>>) target_semaphore(%arg20 : memref<!tpu.dma_semaphore, #tpu.memory_space<semaphore_mem>>)
      } else {
      }
      %dma_wait3A_123 = arith.constant 0 : i32
      %dma_wait3A_124 = arith.constant 0 : i32
      %dma_wait3A_125 = tpu.memref_slice %arg3[%add3A, %dma_wait3A_123, %dma_wait3A_124] : memref<32x84x120xi32, #tpu.memory_space<hbm>> -> memref<1x1x120xi32, #tpu.memory_space<hbm>>
      %dma_wait3A_126 = tpu.memref_squeeze %dma_wait3A_125 : memref<1x1x120xi32, #tpu.memory_space<hbm>> -> memref<120xi32, #tpu.memory_space<hbm>>
      %dma_wait3A_127 = arith.constant 0 : i32
      %dma_wait3A_128 = tpu.memref_slice %arg3[%add3A, %dma_wait3A_123, %dma_wait3A_127] : memref<32x84x120xi32, #tpu.memory_space<hbm>> -> memref<1x1x120xi32, #tpu.memory_space<hbm>>
      %dma_wait3A_129 = tpu.memref_squeeze %dma_wait3A_128 : memref<1x1x120xi32, #tpu.memory_space<hbm>> -> memref<120xi32, #tpu.memory_space<hbm>>
      tpu.wait_dma2 semaphore(%arg23 : memref<!tpu.dma_semaphore, #tpu.memory_space<semaphore_mem>>) src(%dma_wait3A_129 : memref<120xi32, #tpu.memory_space<hbm>>) dst(%arg11 : memref<120xi32, #tpu.memory_space<vmem>>)
      "tpu.region"() ({
        %run_scoped3A = tpu.sem_alloc : memref<!tpu.dma_semaphore, #tpu.memory_space<semaphore_mem>>
        %dma_start3A_171 = arith.constant 0 : i32
        %dma_start3A_172 = arith.constant 0 : i32
        %dma_start3A_173 = tpu.memref_slice %arg25[%dma_start3A_171, %dma_start3A_172] : memref<10240x128xf32, #tpu.memory_space<vmem_shared>> -> memref<10240x128xf32, #tpu.memory_space<vmem_shared>>
        tpu.enqueue_indirect_dma source(%arg14 : memref<120x128xf32, #tpu.memory_space<vmem>>) target(%dma_start3A_173 : memref<10240x128xf32, #tpu.memory_space<vmem_shared>>) offsets(%arg11 : memref<120xi32, #tpu.memory_space<vmem>>) semaphore(%run_scoped3A : memref<!tpu.dma_semaphore, #tpu.memory_space<semaphore_mem>>) {add = true}
        %dma_wait3A_174 = arith.constant 0 : i32
        %dma_wait3A_175 = arith.constant 0 : i32
        %dma_wait3A_176 = tpu.memref_slice %arg25[%dma_wait3A_174, %dma_wait3A_175] : memref<10240x128xf32, #tpu.memory_space<vmem_shared>> -> memref<10240x128xf32, #tpu.memory_space<vmem_shared>>
        tpu.wait_indirect_dma semaphore(%run_scoped3A : memref<!tpu.dma_semaphore, #tpu.memory_space<semaphore_mem>>) src(%arg14 : memref<120x128xf32, #tpu.memory_space<vmem>>) dst(%dma_wait3A_176 : memref<10240x128xf32, #tpu.memory_space<vmem_shared>>)
        tpu.yield
      }) : () -> ()
      %add3A_130 = arith.constant 3 : i32
      %add3A_131 = arith.addi %add3A_105, %add3A_130 : i32
      %lt3A_132 = arith.constant 84 : i32
      %lt3A_133 = arith.cmpi slt, %add3A_131, %lt3A_132 : i32
      %convert_element_type3A_134 = arith.extui %lt3A_133 : i1 to i32
      %cond3A_135 = arith.constant 0 : i32
      %cond3A_136 = arith.cmpi ne, %convert_element_type3A_134, %cond3A_135 : i32
      scf.if %cond3A_136 {
        %add3A_171 = arith.constant 3 : i32
        %add3A_172 = arith.addi %add3A_105, %add3A_171 : i32
        %dma_start3A_173 = arith.constant 0 : i32
        %dma_start3A_174 = tpu.memref_slice %arg3[%add3A, %add3A_172, %dma_start3A_173] : memref<32x84x120xi32, #tpu.memory_space<hbm>> -> memref<1x1x120xi32, #tpu.memory_space<hbm>>
        %dma_start3A_175 = tpu.memref_squeeze %dma_start3A_174 : memref<1x1x120xi32, #tpu.memory_space<hbm>> -> memref<120xi32, #tpu.memory_space<hbm>>
        %dma_start3A_176 = arith.constant 0 : i32
        %dma_start3A_177 = tpu.memref_slice %arg3[%add3A, %add3A_172, %dma_start3A_176] : memref<32x84x120xi32, #tpu.memory_space<hbm>> -> memref<1x1x120xi32, #tpu.memory_space<hbm>>
        %dma_start3A_178 = tpu.memref_squeeze %dma_start3A_177 : memref<1x1x120xi32, #tpu.memory_space<hbm>> -> memref<120xi32, #tpu.memory_space<hbm>>
        tpu.enqueue_dma source(%dma_start3A_178 : memref<120xi32, #tpu.memory_space<hbm>>) target(%arg11 : memref<120xi32, #tpu.memory_space<vmem>>) target_semaphore(%arg23 : memref<!tpu.dma_semaphore, #tpu.memory_space<semaphore_mem>>)
      } else {
      }
      %add3A_137 = arith.constant 2 : i32
      %add3A_138 = arith.addi %mul3A_75, %add3A_137 : i32
      %add3A_139 = arith.constant 2 : i32
      %add3A_140 = arith.addi %add3A_138, %add3A_139 : i32
      %lt3A_141 = arith.constant 84 : i32
      %lt3A_142 = arith.cmpi slt, %add3A_140, %lt3A_141 : i32
      %convert_element_type3A_143 = arith.extui %lt3A_142 : i1 to i32
      %cond3A_144 = arith.constant 0 : i32
      %cond3A_145 = arith.cmpi ne, %convert_element_type3A_143, %cond3A_144 : i32
      scf.if %cond3A_145 {
        %dma_wait3A_171 = arith.constant 0 : i32
        %dma_wait3A_172 = arith.constant 0 : i32
        %dma_wait3A_173 = tpu.memref_slice %arg2[%add3A, %dma_wait3A_171, %dma_wait3A_172] : memref<32x84x120xi32, #tpu.memory_space<hbm>> -> memref<1x1x120xi32, #tpu.memory_space<hbm>>
        %dma_wait3A_174 = tpu.memref_squeeze %dma_wait3A_173 : memref<1x1x120xi32, #tpu.memory_space<hbm>> -> memref<120xi32, #tpu.memory_space<hbm>>
        %dma_wait3A_175 = arith.constant 0 : i32
        %dma_wait3A_176 = tpu.memref_slice %arg2[%add3A, %dma_wait3A_171, %dma_wait3A_175] : memref<32x84x120xi32, #tpu.memory_space<hbm>> -> memref<1x1x120xi32, #tpu.memory_space<hbm>>
        %dma_wait3A_177 = tpu.memref_squeeze %dma_wait3A_176 : memref<1x1x120xi32, #tpu.memory_space<hbm>> -> memref<120xi32, #tpu.memory_space<hbm>>
        tpu.wait_dma2 semaphore(%arg20 : memref<!tpu.dma_semaphore, #tpu.memory_space<semaphore_mem>>) src(%dma_wait3A_177 : memref<120xi32, #tpu.memory_space<hbm>>) dst(%arg8 : memref<120xi32, #tpu.memory_space<vmem>>)
        %dma_start3A_178 = arith.constant 0 : i32
        %dma_start3A_179 = arith.constant 0 : i32
        %dma_start3A_180 = tpu.memref_slice %arg4[%dma_start3A_178, %dma_start3A_179] : memref<10240x128xf32, #tpu.memory_space<hbm>> -> memref<10240x128xf32, #tpu.memory_space<hbm>>
        tpu.enqueue_indirect_dma source(%dma_start3A_180 : memref<10240x128xf32, #tpu.memory_space<hbm>>) target(%arg14 : memref<120x128xf32, #tpu.memory_space<vmem>>) offsets(%arg8 : memref<120xi32, #tpu.memory_space<vmem>>) semaphore(%arg17 : memref<!tpu.dma_semaphore, #tpu.memory_space<semaphore_mem>>)
      } else {
      }
      %dma_wait3A_146 = arith.constant 0 : i32
      %dma_wait3A_147 = arith.constant 0 : i32
      %dma_wait3A_148 = tpu.memref_slice %arg4[%dma_wait3A_146, %dma_wait3A_147] : memref<10240x128xf32, #tpu.memory_space<hbm>> -> memref<10240x128xf32, #tpu.memory_space<hbm>>
      tpu.wait_indirect_dma semaphore(%arg18 : memref<!tpu.dma_semaphore, #tpu.memory_space<semaphore_mem>>) src(%dma_wait3A_148 : memref<10240x128xf32, #tpu.memory_space<hbm>>) dst(%arg15 : memref<120x128xf32, #tpu.memory_space<vmem>>)
      %add3A_149 = arith.constant 3 : i32
      %add3A_150 = arith.addi %add3A_138, %add3A_149 : i32
      %lt3A_151 = arith.constant 84 : i32
      %lt3A_152 = arith.cmpi slt, %add3A_150, %lt3A_151 : i32
      %convert_element_type3A_153 = arith.extui %lt3A_152 : i1 to i32
      %cond3A_154 = arith.constant 0 : i32
      %cond3A_155 = arith.cmpi ne, %convert_element_type3A_153, %cond3A_154 : i32
      scf.if %cond3A_155 {
        %add3A_171 = arith.constant 3 : i32
        %add3A_172 = arith.addi %add3A_138, %add3A_171 : i32
        %dma_start3A_173 = arith.constant 0 : i32
        %dma_start3A_174 = tpu.memref_slice %arg2[%add3A, %add3A_172, %dma_start3A_173] : memref<32x84x120xi32, #tpu.memory_space<hbm>> -> memref<1x1x120xi32, #tpu.memory_space<hbm>>
        %dma_start3A_175 = tpu.memref_squeeze %dma_start3A_174 : memref<1x1x120xi32, #tpu.memory_space<hbm>> -> memref<120xi32, #tpu.memory_space<hbm>>
        %dma_start3A_176 = arith.constant 0 : i32
        %dma_start3A_177 = tpu.memref_slice %arg2[%add3A, %add3A_172, %dma_start3A_176] : memref<32x84x120xi32, #tpu.memory_space<hbm>> -> memref<1x1x120xi32, #tpu.memory_space<hbm>>
        %dma_start3A_178 = tpu.memref_squeeze %dma_start3A_177 : memref<1x1x120xi32, #tpu.memory_space<hbm>> -> memref<120xi32, #tpu.memory_space<hbm>>
        tpu.enqueue_dma source(%dma_start3A_178 : memref<120xi32, #tpu.memory_space<hbm>>) target(%arg9 : memref<120xi32, #tpu.memory_space<vmem>>) target_semaphore(%arg21 : memref<!tpu.dma_semaphore, #tpu.memory_space<semaphore_mem>>)
      } else {
      }
      %dma_wait3A_156 = arith.constant 0 : i32
      %dma_wait3A_157 = arith.constant 0 : i32
      %dma_wait3A_158 = tpu.memref_slice %arg3[%add3A, %dma_wait3A_156, %dma_wait3A_157] : memref<32x84x120xi32, #tpu.memory_space<hbm>> -> memref<1x1x120xi32, #tpu.memory_space<hbm>>
      %dma_wait3A_159 = tpu.memref_squeeze %dma_wait3A_158 : memref<1x1x120xi32, #tpu.memory_space<hbm>> -> memref<120xi32, #tpu.memory_space<hbm>>
      %dma_wait3A_160 = arith.constant 0 : i32
      %dma_wait3A_161 = tpu.memref_slice %arg3[%add3A, %dma_wait3A_156, %dma_wait3A_160] : memref<32x84x120xi32, #tpu.memory_space<hbm>> -> memref<1x1x120xi32, #tpu.memory_space<hbm>>
      %dma_wait3A_162 = tpu.memref_squeeze %dma_wait3A_161 : memref<1x1x120xi32, #tpu.memory_space<hbm>> -> memref<120xi32, #tpu.memory_space<hbm>>
      tpu.wait_dma2 semaphore(%arg24 : memref<!tpu.dma_semaphore, #tpu.memory_space<semaphore_mem>>) src(%dma_wait3A_162 : memref<120xi32, #tpu.memory_space<hbm>>) dst(%arg12 : memref<120xi32, #tpu.memory_space<vmem>>)
      "tpu.region"() ({
        %run_scoped3A = tpu.sem_alloc : memref<!tpu.dma_semaphore, #tpu.memory_space<semaphore_mem>>
        %dma_start3A_171 = arith.constant 0 : i32
        %dma_start3A_172 = arith.constant 0 : i32
        %dma_start3A_173 = tpu.memref_slice %arg25[%dma_start3A_171, %dma_start3A_172] : memref<10240x128xf32, #tpu.memory_space<vmem_shared>> -> memref<10240x128xf32, #tpu.memory_space<vmem_shared>>
        tpu.enqueue_indirect_dma source(%arg15 : memref<120x128xf32, #tpu.memory_space<vmem>>) target(%dma_start3A_173 : memref<10240x128xf32, #tpu.memory_space<vmem_shared>>) offsets(%arg12 : memref<120xi32, #tpu.memory_space<vmem>>) semaphore(%run_scoped3A : memref<!tpu.dma_semaphore, #tpu.memory_space<semaphore_mem>>) {add = true}
        %dma_wait3A_174 = arith.constant 0 : i32
        %dma_wait3A_175 = arith.constant 0 : i32
        %dma_wait3A_176 = tpu.memref_slice %arg25[%dma_wait3A_174, %dma_wait3A_175] : memref<10240x128xf32, #tpu.memory_space<vmem_shared>> -> memref<10240x128xf32, #tpu.memory_space<vmem_shared>>
        tpu.wait_indirect_dma semaphore(%run_scoped3A : memref<!tpu.dma_semaphore, #tpu.memory_space<semaphore_mem>>) src(%arg15 : memref<120x128xf32, #tpu.memory_space<vmem>>) dst(%dma_wait3A_176 : memref<10240x128xf32, #tpu.memory_space<vmem_shared>>)
        tpu.yield
      }) : () -> ()
      %add3A_163 = arith.constant 3 : i32
      %add3A_164 = arith.addi %add3A_138, %add3A_163 : i32
      %lt3A_165 = arith.constant 84 : i32
      %lt3A_166 = arith.cmpi slt, %add3A_164, %lt3A_165 : i32
      %convert_element_type3A_167 = arith.extui %lt3A_166 : i1 to i32
      %cond3A_168 = arith.constant 0 : i32
      %cond3A_169 = arith.cmpi ne, %convert_element_type3A_167, %cond3A_168 : i32
      scf.if %cond3A_169 {
        %add3A_171 = arith.constant 3 : i32
        %add3A_172 = arith.addi %add3A_138, %add3A_171 : i32
        %dma_start3A_173 = arith.constant 0 : i32
        %dma_start3A_174 = tpu.memref_slice %arg3[%add3A, %add3A_172, %dma_start3A_173] : memref<32x84x120xi32, #tpu.memory_space<hbm>> -> memref<1x1x120xi32, #tpu.memory_space<hbm>>
        %dma_start3A_175 = tpu.memref_squeeze %dma_start3A_174 : memref<1x1x120xi32, #tpu.memory_space<hbm>> -> memref<120xi32, #tpu.memory_space<hbm>>
        %dma_start3A_176 = arith.constant 0 : i32
        %dma_start3A_177 = tpu.memref_slice %arg3[%add3A, %add3A_172, %dma_start3A_176] : memref<32x84x120xi32, #tpu.memory_space<hbm>> -> memref<1x1x120xi32, #tpu.memory_space<hbm>>
        %dma_start3A_178 = tpu.memref_squeeze %dma_start3A_177 : memref<1x1x120xi32, #tpu.memory_space<hbm>> -> memref<120xi32, #tpu.memory_space<hbm>>
        tpu.enqueue_dma source(%dma_start3A_178 : memref<120xi32, #tpu.memory_space<hbm>>) target(%arg12 : memref<120xi32, #tpu.memory_space<vmem>>) target_semaphore(%arg24 : memref<!tpu.dma_semaphore, #tpu.memory_space<semaphore_mem>>)
      } else {
      }
      %scan3A_170 = arith.constant 0 : i32
      scf.yield %scan3A_170 : i32
    }
    %scan3A_68 = arith.constant 28 : i32
    %barrier3A_69 = arith.constant 0 : index
    tpu.barrier barrier_id(%barrier3A_69)
    %mul3A_70 = arith.constant 640 : i32
    %mul3A_71 = arith.muli %arg1, %mul3A_70 : i32
    "tpu.region"() ({
      %run_scoped3A = tpu.sem_alloc : memref<!tpu.dma_semaphore, #tpu.memory_space<semaphore_mem>>
      %dma_start3A_72 = arith.constant 0 : i32
      %dma_start3A_73 = arith.constant 0 : i32
      %dma_start3A_74 = tpu.memref_slice %arg6[%arg0, %arg1, %dma_start3A_72, %dma_start3A_73] : memref<2x16x640x128xf32, #tpu.memory_space<hbm>> -> memref<1x1x640x128xf32, #tpu.memory_space<hbm>>
      %dma_start3A_75 = tpu.memref_squeeze %dma_start3A_74 : memref<1x1x640x128xf32, #tpu.memory_space<hbm>> -> memref<640x128xf32, #tpu.memory_space<hbm>>
      %dma_start3A_76 = arith.constant 0 : i32
      %dma_start3A_77 = tpu.memref_slice %arg25[%mul3A_71, %dma_start3A_76] : memref<10240x128xf32, #tpu.memory_space<vmem_shared>> -> memref<640x128xf32, #tpu.memory_space<vmem_shared>>
      tpu.enqueue_dma source(%dma_start3A_77 : memref<640x128xf32, #tpu.memory_space<vmem_shared>>) target(%dma_start3A_75 : memref<640x128xf32, #tpu.memory_space<hbm>>) target_semaphore(%run_scoped3A : memref<!tpu.dma_semaphore, #tpu.memory_space<semaphore_mem>>)
      %dma_wait3A_78 = arith.constant 0 : i32
      %dma_wait3A_79 = arith.constant 0 : i32
      %dma_wait3A_80 = tpu.memref_slice %arg6[%arg0, %arg1, %dma_wait3A_78, %dma_wait3A_79] : memref<2x16x640x128xf32, #tpu.memory_space<hbm>> -> memref<1x1x640x128xf32, #tpu.memory_space<hbm>>
      %dma_wait3A_81 = tpu.memref_squeeze %dma_wait3A_80 : memref<1x1x640x128xf32, #tpu.memory_space<hbm>> -> memref<640x128xf32, #tpu.memory_space<hbm>>
      %dma_wait3A_82 = arith.constant 0 : i32
      %dma_wait3A_83 = tpu.memref_slice %arg25[%mul3A_71, %dma_wait3A_82] : memref<10240x128xf32, #tpu.memory_space<vmem_shared>> -> memref<640x128xf32, #tpu.memory_space<vmem_shared>>
      tpu.wait_dma2 semaphore(%run_scoped3A : memref<!tpu.dma_semaphore, #tpu.memory_space<semaphore_mem>>) src(%dma_wait3A_83 : memref<640x128xf32, #tpu.memory_space<vmem_shared>>) dst(%dma_wait3A_81 : memref<640x128xf32, #tpu.memory_space<hbm>>)
      tpu.yield
    }) : () -> ()
    return
  }
}

#map = affine_map<(d0, d1) -> (0, 0, 0)>
#map1 = affine_map<(d0, d1) -> (0)>
#map2 = affine_map<(d0, d1) -> (0, 0)>
module attributes {stable_mosaic.version = 14 : i64} {
  func.func @_k2_body(%arg0: i32, %arg1: i32, %arg2: memref<32x630x16xi32, #tpu.memory_space<hbm>>, %arg3: memref<10240xf32, #tpu.memory_space<hbm>>, %arg4: memref<2x10240xf32, #tpu.memory_space<hbm>>, %arg5: memref<630x16xi32, #tpu.memory_space<vmem>>, %arg6: memref<10240xf32, #tpu.memory_space<vmem>>, %arg7: memref<16x640xf32, #tpu.memory_space<vmem>>, %arg8: memref<16x10240xf32, #tpu.memory_space<vmem_shared>>) attributes {dimension_semantics = [#tpu.dimension_semantics<core_parallel>, #tpu.dimension_semantics<subcore_parallel>], iteration_bounds = array<i64: 2, 16>, scalar_prefetch = 0 : i64, scratch_operands = 4 : i64, tpu.core_type = #tpu.core_type<sc_vector_subcore>, window_params = [{transform_indices = #map}, {transform_indices = #map1}, {transform_indices = #map2}]} {
    %mul3A = arith.constant 16 : i32
    %mul3A_0 = arith.muli %arg0, %mul3A : i32
    %add3A = arith.addi %mul3A_0, %arg1 : i32
    "tpu.region"() ({
      %run_scoped3A = tpu.sem_alloc : memref<!tpu.dma_semaphore, #tpu.memory_space<semaphore_mem>>
      tpu.enqueue_dma source(%arg3 : memref<10240xf32, #tpu.memory_space<hbm>>) target(%arg6 : memref<10240xf32, #tpu.memory_space<vmem>>) target_semaphore(%run_scoped3A : memref<!tpu.dma_semaphore, #tpu.memory_space<semaphore_mem>>)
      tpu.wait_dma2 semaphore(%run_scoped3A : memref<!tpu.dma_semaphore, #tpu.memory_space<semaphore_mem>>) src(%arg3 : memref<10240xf32, #tpu.memory_space<hbm>>) dst(%arg6 : memref<10240xf32, #tpu.memory_space<vmem>>)
      tpu.yield
    }) : () -> ()
    "tpu.region"() ({
      %run_scoped3A = tpu.sem_alloc : memref<!tpu.dma_semaphore, #tpu.memory_space<semaphore_mem>>
      %dma_start3A = arith.constant 0 : i32
      %dma_start3A_19 = arith.constant 0 : i32
      %dma_start3A_20 = tpu.memref_slice %arg2[%add3A, %dma_start3A, %dma_start3A_19] : memref<32x630x16xi32, #tpu.memory_space<hbm>> -> memref<1x630x16xi32, #tpu.memory_space<hbm>>
      %dma_start3A_21 = tpu.memref_squeeze %dma_start3A_20 : memref<1x630x16xi32, #tpu.memory_space<hbm>> -> memref<630x16xi32, #tpu.memory_space<hbm>>
      %dma_start3A_22 = arith.constant 0 : i32
      %dma_start3A_23 = arith.constant 0 : i32
      %dma_start3A_24 = tpu.memref_slice %arg2[%add3A, %dma_start3A_22, %dma_start3A_23] : memref<32x630x16xi32, #tpu.memory_space<hbm>> -> memref<1x630x16xi32, #tpu.memory_space<hbm>>
      %dma_start3A_25 = tpu.memref_squeeze %dma_start3A_24 : memref<1x630x16xi32, #tpu.memory_space<hbm>> -> memref<630x16xi32, #tpu.memory_space<hbm>>
      tpu.enqueue_dma source(%dma_start3A_25 : memref<630x16xi32, #tpu.memory_space<hbm>>) target(%arg5 : memref<630x16xi32, #tpu.memory_space<vmem>>) target_semaphore(%run_scoped3A : memref<!tpu.dma_semaphore, #tpu.memory_space<semaphore_mem>>)
      %dma_wait3A = arith.constant 0 : i32
      %dma_wait3A_26 = arith.constant 0 : i32
      %dma_wait3A_27 = tpu.memref_slice %arg2[%add3A, %dma_wait3A, %dma_wait3A_26] : memref<32x630x16xi32, #tpu.memory_space<hbm>> -> memref<1x630x16xi32, #tpu.memory_space<hbm>>
      %dma_wait3A_28 = tpu.memref_squeeze %dma_wait3A_27 : memref<1x630x16xi32, #tpu.memory_space<hbm>> -> memref<630x16xi32, #tpu.memory_space<hbm>>
      %dma_wait3A_29 = arith.constant 0 : i32
      %dma_wait3A_30 = arith.constant 0 : i32
      %dma_wait3A_31 = tpu.memref_slice %arg2[%add3A, %dma_wait3A_29, %dma_wait3A_30] : memref<32x630x16xi32, #tpu.memory_space<hbm>> -> memref<1x630x16xi32, #tpu.memory_space<hbm>>
      %dma_wait3A_32 = tpu.memref_squeeze %dma_wait3A_31 : memref<1x630x16xi32, #tpu.memory_space<hbm>> -> memref<630x16xi32, #tpu.memory_space<hbm>>
      tpu.wait_dma2 semaphore(%run_scoped3A : memref<!tpu.dma_semaphore, #tpu.memory_space<semaphore_mem>>) src(%dma_wait3A_32 : memref<630x16xi32, #tpu.memory_space<hbm>>) dst(%arg5 : memref<630x16xi32, #tpu.memory_space<vmem>>)
      tpu.yield
    }) : () -> ()
    %broadcast_in_dim3A = arith.constant 1.000000e+00 : f32
    %broadcast_in_dim3A_1 = vector.broadcast %broadcast_in_dim3A : f32 to vector<16xf32>
    %scan3A = arith.constant 0 : i32
    %scan3A_2 = arith.constant 0 : i32
    %scan3A_3 = arith.constant 630 : i32
    %scan3A_4 = arith.addi %scan3A_2, %scan3A_3 : i32
    %scan3A_5 = arith.constant 1 : i32
    %scan3A_6 = scf.for %scan3A_19 = %scan3A_2 to %scan3A_4 step %scan3A_5 iter_args(%scan3A_20 = %scan3A) -> (i32)  : i32 {
      %get3A = arith.index_cast %scan3A_19 : i32 to index
      %get3A_21 = arith.constant 0 : index
      %get3A_22 = tpu.vector_load %arg5[%get3A, %get3A_21] {strides = array<i32>} : memref<630x16xi32, #tpu.memory_space<vmem>>, vector<16xi32>,
      tpu.vector_store_idx %arg6[%get3A_22], %broadcast_in_dim3A_1 {add = true} : memref<10240xf32, #tpu.memory_space<vmem>>[vector<16xi32>], vector<16xf32>,
      %scan3A_23 = arith.constant 0 : i32
      scf.yield %scan3A_23 : i32
    }
    %scan3A_7 = arith.constant 630 : i32
    "tpu.region"() ({
      %run_scoped3A = tpu.sem_alloc : memref<!tpu.dma_semaphore, #tpu.memory_space<semaphore_mem>>
      %dma_start3A = arith.constant 0 : i32
      %dma_start3A_19 = tpu.memref_slice %arg8[%arg1, %dma_start3A] : memref<16x10240xf32, #tpu.memory_space<vmem_shared>> -> memref<1x10240xf32, #tpu.memory_space<vmem_shared>>
      %dma_start3A_20 = tpu.memref_squeeze %dma_start3A_19 : memref<1x10240xf32, #tpu.memory_space<vmem_shared>> -> memref<10240xf32, #tpu.memory_space<vmem_shared>>
      %dma_start3A_21 = arith.constant 0 : i32
      %dma_start3A_22 = tpu.memref_slice %arg8[%arg1, %dma_start3A_21] : memref<16x10240xf32, #tpu.memory_space<vmem_shared>> -> memref<1x10240xf32, #tpu.memory_space<vmem_shared>>
      %dma_start3A_23 = tpu.memref_squeeze %dma_start3A_22 : memref<1x10240xf32, #tpu.memory_space<vmem_shared>> -> memref<10240xf32, #tpu.memory_space<vmem_shared>>
      tpu.enqueue_dma source(%arg6 : memref<10240xf32, #tpu.memory_space<vmem>>) target(%dma_start3A_23 : memref<10240xf32, #tpu.memory_space<vmem_shared>>) target_semaphore(%run_scoped3A : memref<!tpu.dma_semaphore, #tpu.memory_space<semaphore_mem>>)
      %dma_wait3A = arith.constant 0 : i32
      %dma_wait3A_24 = tpu.memref_slice %arg8[%arg1, %dma_wait3A] : memref<16x10240xf32, #tpu.memory_space<vmem_shared>> -> memref<1x10240xf32, #tpu.memory_space<vmem_shared>>
      %dma_wait3A_25 = tpu.memref_squeeze %dma_wait3A_24 : memref<1x10240xf32, #tpu.memory_space<vmem_shared>> -> memref<10240xf32, #tpu.memory_space<vmem_shared>>
      %dma_wait3A_26 = arith.constant 0 : i32
      %dma_wait3A_27 = tpu.memref_slice %arg8[%arg1, %dma_wait3A_26] : memref<16x10240xf32, #tpu.memory_space<vmem_shared>> -> memref<1x10240xf32, #tpu.memory_space<vmem_shared>>
      %dma_wait3A_28 = tpu.memref_squeeze %dma_wait3A_27 : memref<1x10240xf32, #tpu.memory_space<vmem_shared>> -> memref<10240xf32, #tpu.memory_space<vmem_shared>>
      tpu.wait_dma2 semaphore(%run_scoped3A : memref<!tpu.dma_semaphore, #tpu.memory_space<semaphore_mem>>) src(%arg6 : memref<10240xf32, #tpu.memory_space<vmem>>) dst(%dma_wait3A_28 : memref<10240xf32, #tpu.memory_space<vmem_shared>>)
      tpu.yield
    }) : () -> ()
    %barrier3A = arith.constant 0 : index
    tpu.barrier barrier_id(%barrier3A)
    %mul3A_8 = arith.constant 640 : i32
    %mul3A_9 = arith.muli %arg1, %mul3A_8 : i32
    "tpu.region"() ({
      %run_scoped3A = tpu.sem_alloc : memref<!tpu.dma_semaphore, #tpu.memory_space<semaphore_mem>>
      %dma_start3A = arith.constant 0 : i32
      %dma_start3A_19 = tpu.memref_slice %arg8[%dma_start3A, %mul3A_9] : memref<16x10240xf32, #tpu.memory_space<vmem_shared>> -> memref<16x640xf32, #tpu.memory_space<vmem_shared>>
      %dma_start3A_20 = arith.constant 0 : i32
      %dma_start3A_21 = tpu.memref_slice %arg8[%dma_start3A_20, %mul3A_9] : memref<16x10240xf32, #tpu.memory_space<vmem_shared>> -> memref<16x640xf32, #tpu.memory_space<vmem_shared>>
      tpu.enqueue_dma source(%dma_start3A_21 : memref<16x640xf32, #tpu.memory_space<vmem_shared>>) target(%arg7 : memref<16x640xf32, #tpu.memory_space<vmem>>) target_semaphore(%run_scoped3A : memref<!tpu.dma_semaphore, #tpu.memory_space<semaphore_mem>>)
      %dma_wait3A = arith.constant 0 : i32
      %dma_wait3A_22 = tpu.memref_slice %arg8[%dma_wait3A, %mul3A_9] : memref<16x10240xf32, #tpu.memory_space<vmem_shared>> -> memref<16x640xf32, #tpu.memory_space<vmem_shared>>
      %dma_wait3A_23 = arith.constant 0 : i32
      %dma_wait3A_24 = tpu.memref_slice %arg8[%dma_wait3A_23, %mul3A_9] : memref<16x10240xf32, #tpu.memory_space<vmem_shared>> -> memref<16x640xf32, #tpu.memory_space<vmem_shared>>
      tpu.wait_dma2 semaphore(%run_scoped3A : memref<!tpu.dma_semaphore, #tpu.memory_space<semaphore_mem>>) src(%dma_wait3A_24 : memref<16x640xf32, #tpu.memory_space<vmem_shared>>) dst(%arg7 : memref<16x640xf32, #tpu.memory_space<vmem>>)
      tpu.yield
    }) : () -> ()
    %scan3A_10 = arith.constant 0 : i32
    %scan3A_11 = arith.constant 0 : i32
    %scan3A_12 = arith.constant 40 : i32
    %scan3A_13 = arith.addi %scan3A_11, %scan3A_12 : i32
    %scan3A_14 = arith.constant 1 : i32
    %scan3A_15 = scf.for %scan3A_19 = %scan3A_11 to %scan3A_13 step %scan3A_14 iter_args(%scan3A_20 = %scan3A_10) -> (i32)  : i32 {
      %mul3A_21 = arith.constant 16 : i32
      %mul3A_22 = arith.muli %scan3A_19, %mul3A_21 : i32
      %get3A = arith.constant 0 : i32
      %get3A_23 = arith.index_cast %get3A : i32 to index
      %get3A_24 = arith.index_cast %mul3A_22 : i32 to index
      %get3A_25 = tpu.vector_load %arg7[%get3A_23, %get3A_24] {strides = array<i32>} : memref<16x640xf32, #tpu.memory_space<vmem>>, vector<16xf32>,
      %get3A_26 = arith.constant 1 : i32
      %get3A_27 = arith.index_cast %get3A_26 : i32 to index
      %get3A_28 = arith.index_cast %mul3A_22 : i32 to index
      %get3A_29 = tpu.vector_load %arg7[%get3A_27, %get3A_28] {strides = array<i32>} : memref<16x640xf32, #tpu.memory_space<vmem>>, vector<16xf32>,
      %add3A_30 = arith.addf %get3A_25, %get3A_29 : vector<16xf32>
      %get3A_31 = arith.constant 2 : i32
      %get3A_32 = arith.index_cast %get3A_31 : i32 to index
      %get3A_33 = arith.index_cast %mul3A_22 : i32 to index
      %get3A_34 = tpu.vector_load %arg7[%get3A_32, %get3A_33] {strides = array<i32>} : memref<16x640xf32, #tpu.memory_space<vmem>>, vector<16xf32>,
      %add3A_35 = arith.addf %add3A_30, %get3A_34 : vector<16xf32>
      %get3A_36 = arith.constant 3 : i32
      %get3A_37 = arith.index_cast %get3A_36 : i32 to index
      %get3A_38 = arith.index_cast %mul3A_22 : i32 to index
      %get3A_39 = tpu.vector_load %arg7[%get3A_37, %get3A_38] {strides = array<i32>} : memref<16x640xf32, #tpu.memory_space<vmem>>, vector<16xf32>,
      %add3A_40 = arith.addf %add3A_35, %get3A_39 : vector<16xf32>
      %get3A_41 = arith.constant 4 : i32
      %get3A_42 = arith.index_cast %get3A_41 : i32 to index
      %get3A_43 = arith.index_cast %mul3A_22 : i32 to index
      %get3A_44 = tpu.vector_load %arg7[%get3A_42, %get3A_43] {strides = array<i32>} : memref<16x640xf32, #tpu.memory_space<vmem>>, vector<16xf32>,
      %add3A_45 = arith.addf %add3A_40, %get3A_44 : vector<16xf32>
      %get3A_46 = arith.constant 5 : i32
      %get3A_47 = arith.index_cast %get3A_46 : i32 to index
      %get3A_48 = arith.index_cast %mul3A_22 : i32 to index
      %get3A_49 = tpu.vector_load %arg7[%get3A_47, %get3A_48] {strides = array<i32>} : memref<16x640xf32, #tpu.memory_space<vmem>>, vector<16xf32>,
      %add3A_50 = arith.addf %add3A_45, %get3A_49 : vector<16xf32>
      %get3A_51 = arith.constant 6 : i32
      %get3A_52 = arith.index_cast %get3A_51 : i32 to index
      %get3A_53 = arith.index_cast %mul3A_22 : i32 to index
      %get3A_54 = tpu.vector_load %arg7[%get3A_52, %get3A_53] {strides = array<i32>} : memref<16x640xf32, #tpu.memory_space<vmem>>, vector<16xf32>,
      %add3A_55 = arith.addf %add3A_50, %get3A_54 : vector<16xf32>
      %get3A_56 = arith.constant 7 : i32
      %get3A_57 = arith.index_cast %get3A_56 : i32 to index
      %get3A_58 = arith.index_cast %mul3A_22 : i32 to index
      %get3A_59 = tpu.vector_load %arg7[%get3A_57, %get3A_58] {strides = array<i32>} : memref<16x640xf32, #tpu.memory_space<vmem>>, vector<16xf32>,
      %add3A_60 = arith.addf %add3A_55, %get3A_59 : vector<16xf32>
      %get3A_61 = arith.constant 8 : i32
      %get3A_62 = arith.index_cast %get3A_61 : i32 to index
      %get3A_63 = arith.index_cast %mul3A_22 : i32 to index
      %get3A_64 = tpu.vector_load %arg7[%get3A_62, %get3A_63] {strides = array<i32>} : memref<16x640xf32, #tpu.memory_space<vmem>>, vector<16xf32>,
      %add3A_65 = arith.addf %add3A_60, %get3A_64 : vector<16xf32>
      %get3A_66 = arith.constant 9 : i32
      %get3A_67 = arith.index_cast %get3A_66 : i32 to index
      %get3A_68 = arith.index_cast %mul3A_22 : i32 to index
      %get3A_69 = tpu.vector_load %arg7[%get3A_67, %get3A_68] {strides = array<i32>} : memref<16x640xf32, #tpu.memory_space<vmem>>, vector<16xf32>,
      %add3A_70 = arith.addf %add3A_65, %get3A_69 : vector<16xf32>
      %get3A_71 = arith.constant 10 : i32
      %get3A_72 = arith.index_cast %get3A_71 : i32 to index
      %get3A_73 = arith.index_cast %mul3A_22 : i32 to index
      %get3A_74 = tpu.vector_load %arg7[%get3A_72, %get3A_73] {strides = array<i32>} : memref<16x640xf32, #tpu.memory_space<vmem>>, vector<16xf32>,
      %add3A_75 = arith.addf %add3A_70, %get3A_74 : vector<16xf32>
      %get3A_76 = arith.constant 11 : i32
      %get3A_77 = arith.index_cast %get3A_76 : i32 to index
      %get3A_78 = arith.index_cast %mul3A_22 : i32 to index
      %get3A_79 = tpu.vector_load %arg7[%get3A_77, %get3A_78] {strides = array<i32>} : memref<16x640xf32, #tpu.memory_space<vmem>>, vector<16xf32>,
      %add3A_80 = arith.addf %add3A_75, %get3A_79 : vector<16xf32>
      %get3A_81 = arith.constant 12 : i32
      %get3A_82 = arith.index_cast %get3A_81 : i32 to index
      %get3A_83 = arith.index_cast %mul3A_22 : i32 to index
      %get3A_84 = tpu.vector_load %arg7[%get3A_82, %get3A_83] {strides = array<i32>} : memref<16x640xf32, #tpu.memory_space<vmem>>, vector<16xf32>,
      %add3A_85 = arith.addf %add3A_80, %get3A_84 : vector<16xf32>
      %get3A_86 = arith.constant 13 : i32
      %get3A_87 = arith.index_cast %get3A_86 : i32 to index
      %get3A_88 = arith.index_cast %mul3A_22 : i32 to index
      %get3A_89 = tpu.vector_load %arg7[%get3A_87, %get3A_88] {strides = array<i32>} : memref<16x640xf32, #tpu.memory_space<vmem>>, vector<16xf32>,
      %add3A_90 = arith.addf %add3A_85, %get3A_89 : vector<16xf32>
      %get3A_91 = arith.constant 14 : i32
      %get3A_92 = arith.index_cast %get3A_91 : i32 to index
      %get3A_93 = arith.index_cast %mul3A_22 : i32 to index
      %get3A_94 = tpu.vector_load %arg7[%get3A_92, %get3A_93] {strides = array<i32>} : memref<16x640xf32, #tpu.memory_space<vmem>>, vector<16xf32>,
      %add3A_95 = arith.addf %add3A_90, %get3A_94 : vector<16xf32>
      %get3A_96 = arith.constant 15 : i32
      %get3A_97 = arith.index_cast %get3A_96 : i32 to index
      %get3A_98 = arith.index_cast %mul3A_22 : i32 to index
      %get3A_99 = tpu.vector_load %arg7[%get3A_97, %get3A_98] {strides = array<i32>} : memref<16x640xf32, #tpu.memory_space<vmem>>, vector<16xf32>,
      %add3A_100 = arith.addf %add3A_95, %get3A_99 : vector<16xf32>
      %swap3A = arith.index_cast %mul3A_22 : i32 to index
      %swap3A_101 = tpu.vector_load %arg6[%swap3A] {strides = array<i32>} : memref<10240xf32, #tpu.memory_space<vmem>>, vector<16xf32>,
      tpu.vector_store %arg6[%swap3A], %add3A_100 {strides = array<i32>} : memref<10240xf32, #tpu.memory_space<vmem>>, vector<16xf32>,
      %scan3A_102 = arith.constant 0 : i32
      scf.yield %scan3A_102 : i32
    }
    %scan3A_16 = arith.constant 40 : i32
    %mul3A_17 = arith.constant 640 : i32
    %mul3A_18 = arith.muli %arg1, %mul3A_17 : i32
    "tpu.region"() ({
      %run_scoped3A = tpu.sem_alloc : memref<!tpu.dma_semaphore, #tpu.memory_space<semaphore_mem>>
      %dma_start3A = arith.constant 0 : i32
      %dma_start3A_19 = tpu.memref_slice %arg6[%dma_start3A] : memref<10240xf32, #tpu.memory_space<vmem>> -> memref<640xf32, #tpu.memory_space<vmem>>
      %dma_start3A_20 = tpu.memref_slice %arg4[%arg0, %mul3A_18] : memref<2x10240xf32, #tpu.memory_space<hbm>> -> memref<1x640xf32, #tpu.memory_space<hbm>>
      %dma_start3A_21 = tpu.memref_squeeze %dma_start3A_20 : memref<1x640xf32, #tpu.memory_space<hbm>> -> memref<640xf32, #tpu.memory_space<hbm>>
      %dma_start3A_22 = tpu.memref_slice %arg4[%arg0, %mul3A_18] : memref<2x10240xf32, #tpu.memory_space<hbm>> -> memref<1x640xf32, #tpu.memory_space<hbm>>
      %dma_start3A_23 = tpu.memref_squeeze %dma_start3A_22 : memref<1x640xf32, #tpu.memory_space<hbm>> -> memref<640xf32, #tpu.memory_space<hbm>>
      %dma_start3A_24 = arith.constant 0 : i32
      %dma_start3A_25 = tpu.memref_slice %arg6[%dma_start3A_24] : memref<10240xf32, #tpu.memory_space<vmem>> -> memref<640xf32, #tpu.memory_space<vmem>>
      tpu.enqueue_dma source(%dma_start3A_25 : memref<640xf32, #tpu.memory_space<vmem>>) target(%dma_start3A_23 : memref<640xf32, #tpu.memory_space<hbm>>) target_semaphore(%run_scoped3A : memref<!tpu.dma_semaphore, #tpu.memory_space<semaphore_mem>>)
      %dma_wait3A = arith.constant 0 : i32
      %dma_wait3A_26 = tpu.memref_slice %arg6[%dma_wait3A] : memref<10240xf32, #tpu.memory_space<vmem>> -> memref<640xf32, #tpu.memory_space<vmem>>
      %dma_wait3A_27 = tpu.memref_slice %arg4[%arg0, %mul3A_18] : memref<2x10240xf32, #tpu.memory_space<hbm>> -> memref<1x640xf32, #tpu.memory_space<hbm>>
      %dma_wait3A_28 = tpu.memref_squeeze %dma_wait3A_27 : memref<1x640xf32, #tpu.memory_space<hbm>> -> memref<640xf32, #tpu.memory_space<hbm>>
      %dma_wait3A_29 = tpu.memref_slice %arg4[%arg0, %mul3A_18] : memref<2x10240xf32, #tpu.memory_space<hbm>> -> memref<1x640xf32, #tpu.memory_space<hbm>>
      %dma_wait3A_30 = tpu.memref_squeeze %dma_wait3A_29 : memref<1x640xf32, #tpu.memory_space<hbm>> -> memref<640xf32, #tpu.memory_space<hbm>>
      %dma_wait3A_31 = arith.constant 0 : i32
      %dma_wait3A_32 = tpu.memref_slice %arg6[%dma_wait3A_31] : memref<10240xf32, #tpu.memory_space<vmem>> -> memref<640xf32, #tpu.memory_space<vmem>>
      tpu.wait_dma2 semaphore(%run_scoped3A : memref<!tpu.dma_semaphore, #tpu.memory_space<semaphore_mem>>) src(%dma_wait3A_32 : memref<640xf32, #tpu.memory_space<vmem>>) dst(%dma_wait3A_30 : memref<640xf32, #tpu.memory_space<hbm>>)
      tpu.yield
    }) : () -> ()
    return
  }
}

module attributes {stable_mosaic.version = 14 : i64} {
  func.func @_k3_body(%arg0: i32, %arg1: memref<2048x128xf32, #tpu.memory_space<vmem>>, %arg2: memref<128x128xf32, #tpu.memory_space<vmem>>, %arg3: memref<1x128xf32, #tpu.memory_space<vmem>>, %arg4: memref<128x128xf32, #tpu.memory_space<vmem>>, %arg5: memref<1x128xf32, #tpu.memory_space<vmem>>, %arg6: memref<2x2048x1xf32, #tpu.memory_space<vmem>>, %arg7: memref<2048x128xf32, #tpu.memory_space<vmem>>, %arg8: memref<2048x1xf32, #tpu.memory_space<vmem>>, %arg9: memref<2048x128xf32, #tpu.memory_space<vmem>>) attributes {dimension_semantics = [#tpu.dimension_semantics<arbitrary>], iteration_bounds = array<i64: 5>, scalar_prefetch = 0 : i64, scratch_operands = 0 : i64, tpu.core_type = #tpu.core_type<tc>, window_params = [{transform_indices = @transform_0, window_bounds = array<i64: 2048, 128>}, {pipeline_mode = #tpu.pipeline_mode<synchronous>, transform_indices = @transform_1, window_bounds = array<i64: 128, 128>}, {pipeline_mode = #tpu.pipeline_mode<synchronous>, transform_indices = @transform_2, window_bounds = array<i64: 1, 128>}, {pipeline_mode = #tpu.pipeline_mode<synchronous>, transform_indices = @transform_3, window_bounds = array<i64: 128, 128>}, {pipeline_mode = #tpu.pipeline_mode<synchronous>, transform_indices = @transform_4, window_bounds = array<i64: 1, 128>}, {transform_indices = @transform_5, window_bounds = array<i64: 2, 2048, 1>}, {transform_indices = @transform_6, window_bounds = array<i64: 2048, 128>}, {transform_indices = @transform_7, window_bounds = array<i64: 2048, 1>}, {transform_indices = @transform_8, window_bounds = array<i64: 2048, 128>}]} {
    %get3A = arith.constant 0 : index
    %get3A_0 = arith.constant 0 : index
    %get3A_1 = vector.load %arg2[%get3A, %get3A_0] : memref<128x128xf32, #tpu.memory_space<vmem>>, vector<128x128xf32>
    %get3A_2 = arith.constant 0 : index
    %get3A_3 = arith.constant 0 : index
    %get3A_4 = vector.load %arg4[%get3A_2, %get3A_3] : memref<128x128xf32, #tpu.memory_space<vmem>>, vector<128x128xf32>
    %dot_general3A = arith.constant dense<0.000000e+00> : vector<128x128xf32>
    %dot_general3A_5 = tpu.matmul %get3A_1, %get3A_4, %dot_general3A {dimension_numbers = #tpu.dot_dimension_numbers<[1], [0], [0], [1], [0, 0, 1, 1], [], []>, transpose_lhs_hint = false} : vector<128x128xf32>, vector<128x128xf32>, vector<128x128xf32> -> vector<128x128xf32>
    %get3A_6 = arith.constant 0 : index
    %get3A_7 = arith.constant 0 : index
    %get3A_8 = vector.load %arg3[%get3A_6, %get3A_7] : memref<1x128xf32, #tpu.memory_space<vmem>>, vector<1x128xf32>
    %get3A_9 = arith.constant 0 : index
    %get3A_10 = arith.constant 0 : index
    %get3A_11 = vector.load %arg4[%get3A_9, %get3A_10] : memref<128x128xf32, #tpu.memory_space<vmem>>, vector<128x128xf32>
    %dot_general3A_12 = arith.constant dense<0.000000e+00> : vector<1x128xf32>
    %dot_general3A_13 = tpu.matmul %get3A_8, %get3A_11, %dot_general3A_12 {dimension_numbers = #tpu.dot_dimension_numbers<[1], [0], [0], [1], [0, 0, 1, 1], [], []>, transpose_lhs_hint = false} : vector<1x128xf32>, vector<128x128xf32>, vector<1x128xf32> -> vector<1x128xf32>
    %get3A_14 = arith.constant 0 : index
    %get3A_15 = arith.constant 0 : index
    %get3A_16 = vector.load %arg5[%get3A_14, %get3A_15] : memref<1x128xf32, #tpu.memory_space<vmem>>, vector<1x128xf32>
    %add3A = arith.addf %dot_general3A_13, %get3A_16 : vector<1x128xf32>
    %get3A_17 = arith.constant 0 : index
    %get3A_18 = arith.constant 0 : index
    %get3A_19 = vector.load %arg1[%get3A_17, %get3A_18] : memref<2048x128xf32, #tpu.memory_space<vmem>>, vector<2048x128xf32>
    %dot_general3A_20 = arith.constant dense<0.000000e+00> : vector<2048x128xf32>
    %dot_general3A_21 = tpu.matmul %get3A_19, %dot_general3A_5, %dot_general3A_20 {dimension_numbers = #tpu.dot_dimension_numbers<[1], [0], [0], [1], [0, 0, 1, 1], [], []>, transpose_lhs_hint = false} : vector<2048x128xf32>, vector<128x128xf32>, vector<2048x128xf32> -> vector<2048x128xf32>
    %add3A_22 = vector.broadcast %add3A : vector<1x128xf32> to vector<2048x128xf32>
    %add3A_23 = arith.addf %dot_general3A_21, %add3A_22 : vector<2048x128xf32>
    %swap3A = arith.constant 0 : index
    %swap3A_24 = arith.constant 0 : index
    %swap3A_25 = vector.load %arg7[%swap3A, %swap3A_24] : memref<2048x128xf32, #tpu.memory_space<vmem>>, vector<2048x128xf32>
    tpu.vector_store %arg7[%swap3A, %swap3A_24], %add3A_23 {strides = array<i32>} : memref<2048x128xf32, #tpu.memory_space<vmem>>, vector<2048x128xf32>,
    %get3A_26 = arith.constant 0 : index
    %get3A_27 = arith.constant 0 : index
    %get3A_28 = arith.constant 0 : index
    %get3A_29 = vector.load %arg6[%get3A_26, %get3A_27, %get3A_28] : memref<2x2048x1xf32, #tpu.memory_space<vmem>>, vector<2x2048x1xf32>
    %reduce_sum3A = arith.constant dense<0.000000e+00> : vector<2048x1xf32>
    %reduce_sum3A_30 = vector.multi_reduction <add>, %get3A_29, %reduce_sum3A [0] : vector<2x2048x1xf32> to vector<2048x1xf32>
    %max3A = arith.constant 1.000000e+00 : f32
    %max3A_31 = vector.broadcast %max3A : f32 to vector<2048x1xf32>
    %max3A_32 = arith.maximumf %reduce_sum3A_30, %max3A_31 : vector<2048x1xf32>
    %rsqrt3A = math.rsqrt %max3A_32 : vector<2048x1xf32>
    %swap3A_33 = arith.constant 0 : index
    %swap3A_34 = arith.constant 0 : index
    %swap3A_35 = vector.load %arg8[%swap3A_33, %swap3A_34] : memref<2048x1xf32, #tpu.memory_space<vmem>>, vector<2048x1xf32>
    tpu.vector_store %arg8[%swap3A_33, %swap3A_34], %rsqrt3A {strides = array<i32>} : memref<2048x1xf32, #tpu.memory_space<vmem>>, vector<2048x1xf32>,
    %mul3A = vector.broadcast %rsqrt3A : vector<2048x1xf32> to vector<2048x128xf32>
    %mul3A_36 = arith.mulf %mul3A, %add3A_23 : vector<2048x128xf32>
    %swap3A_37 = arith.constant 0 : index
    %swap3A_38 = arith.constant 0 : index
    %swap3A_39 = vector.load %arg9[%swap3A_37, %swap3A_38] : memref<2048x128xf32, #tpu.memory_space<vmem>>, vector<2048x128xf32>
    tpu.vector_store %arg9[%swap3A_37, %swap3A_38], %mul3A_36 {strides = array<i32>} : memref<2048x128xf32, #tpu.memory_space<vmem>>, vector<2048x128xf32>,
    return
  }
  func.func @transform_0(%arg0: i32) -> (i32, i32) {
    %c0_i32 = arith.constant 0 : i32
    %c0_i32_0 = arith.constant 0 : i32
    return %arg0, %c0_i32 : i32, i32
  }
  func.func @transform_1(%arg0: i32) -> (i32, i32) {
    %c0_i32 = arith.constant 0 : i32
    %c0_i32_0 = arith.constant 0 : i32
    %c0_i32_1 = arith.constant 0 : i32
    return %c0_i32, %c0_i32_0 : i32, i32
  }
  func.func @transform_2(%arg0: i32) -> (i32, i32) {
    %c0_i32 = arith.constant 0 : i32
    %c0_i32_0 = arith.constant 0 : i32
    %c0_i32_1 = arith.constant 0 : i32
    return %c0_i32, %c0_i32_0 : i32, i32
  }
  func.func @transform_3(%arg0: i32) -> (i32, i32) {
    %c0_i32 = arith.constant 0 : i32
    %c0_i32_0 = arith.constant 0 : i32
    %c0_i32_1 = arith.constant 0 : i32
    return %c0_i32, %c0_i32_0 : i32, i32
  }
  func.func @transform_4(%arg0: i32) -> (i32, i32) {
    %c0_i32 = arith.constant 0 : i32
    %c0_i32_0 = arith.constant 0 : i32
    %c0_i32_1 = arith.constant 0 : i32
    return %c0_i32, %c0_i32_0 : i32, i32
  }
  func.func @transform_5(%arg0: i32) -> (i32, i32, i32) {
    %c0_i32 = arith.constant 0 : i32
    %c0_i32_0 = arith.constant 0 : i32
    %c0_i32_1 = arith.constant 0 : i32
    return %c0_i32, %arg0, %c0_i32_0 : i32, i32, i32
  }
  func.func @transform_6(%arg0: i32) -> (i32, i32) {
    %c0_i32 = arith.constant 0 : i32
    %c0_i32_0 = arith.constant 0 : i32
    return %arg0, %c0_i32 : i32, i32
  }
  func.func @transform_7(%arg0: i32) -> (i32, i32) {
    %c0_i32 = arith.constant 0 : i32
    %c0_i32_0 = arith.constant 0 : i32
    return %arg0, %c0_i32 : i32, i32
  }
  func.func @transform_8(%arg0: i32) -> (i32, i32) {
    %c0_i32 = arith.constant 0 : i32
    %c0_i32_0 = arith.constant 0 : i32
    return %arg0, %c0_i32 : i32, i32
  }
}

module attributes {stable_mosaic.version = 14 : i64} {
  func.func @_k5_body(%arg0: i32, %arg1: memref<2x2048x128xf32, #tpu.memory_space<vmem>>, %arg2: memref<2048x1xf32, #tpu.memory_space<vmem>>, %arg3: memref<2048x128xf32, #tpu.memory_space<vmem>>, %arg4: memref<128x64xf32, #tpu.memory_space<vmem>>, %arg5: memref<1x64xf32, #tpu.memory_space<vmem>>, %arg6: memref<2048x64xf32, #tpu.memory_space<vmem>>) attributes {dimension_semantics = [#tpu.dimension_semantics<arbitrary>], iteration_bounds = array<i64: 5>, scalar_prefetch = 0 : i64, scratch_operands = 0 : i64, tpu.core_type = #tpu.core_type<tc>, window_params = [{transform_indices = @transform_0, window_bounds = array<i64: 2, 2048, 128>}, {transform_indices = @transform_1, window_bounds = array<i64: 2048, 1>}, {transform_indices = @transform_2, window_bounds = array<i64: 2048, 128>}, {pipeline_mode = #tpu.pipeline_mode<synchronous>, transform_indices = @transform_3, window_bounds = array<i64: 128, 64>}, {pipeline_mode = #tpu.pipeline_mode<synchronous>, transform_indices = @transform_4, window_bounds = array<i64: 1, 64>}, {transform_indices = @transform_5, window_bounds = array<i64: 2048, 64>}]} {
    %get3A = arith.constant 0 : index
    %get3A_0 = arith.constant 0 : index
    %get3A_1 = arith.constant 0 : index
    %get3A_2 = vector.load %arg1[%get3A, %get3A_0, %get3A_1] : memref<2x2048x128xf32, #tpu.memory_space<vmem>>, vector<1x2048x128xf32>
    %get3A_3 = vector.shape_cast %get3A_2 : vector<1x2048x128xf32> to vector<2048x128xf32>
    %get3A_4 = arith.constant 1 : index
    %get3A_5 = arith.constant 0 : index
    %get3A_6 = arith.constant 0 : index
    %get3A_7 = vector.load %arg1[%get3A_4, %get3A_5, %get3A_6] : memref<2x2048x128xf32, #tpu.memory_space<vmem>>, vector<1x2048x128xf32>
    %get3A_8 = vector.shape_cast %get3A_7 : vector<1x2048x128xf32> to vector<2048x128xf32>
    %add3A = arith.addf %get3A_3, %get3A_8 : vector<2048x128xf32>
    %get3A_9 = arith.constant 0 : index
    %get3A_10 = arith.constant 0 : index
    %get3A_11 = vector.load %arg2[%get3A_9, %get3A_10] : memref<2048x1xf32, #tpu.memory_space<vmem>>, vector<2048x1xf32>
    %mul3A = vector.broadcast %get3A_11 : vector<2048x1xf32> to vector<2048x128xf32>
    %mul3A_12 = arith.mulf %mul3A, %add3A : vector<2048x128xf32>
    %mul3A_13 = arith.constant 5.000000e-01 : f32
    %mul3A_14 = vector.broadcast %mul3A_13 : f32 to vector<2048x128xf32>
    %mul3A_15 = arith.mulf %mul3A_14, %mul3A_12 : vector<2048x128xf32>
    %get3A_16 = arith.constant 0 : index
    %get3A_17 = arith.constant 0 : index
    %get3A_18 = vector.load %arg3[%get3A_16, %get3A_17] : memref<2048x128xf32, #tpu.memory_space<vmem>>, vector<2048x128xf32>
    %mul3A_19 = arith.constant 5.000000e-01 : f32
    %mul3A_20 = vector.broadcast %mul3A_19 : f32 to vector<2048x128xf32>
    %mul3A_21 = arith.mulf %mul3A_20, %get3A_18 : vector<2048x128xf32>
    %add3A_22 = arith.addf %mul3A_15, %mul3A_21 : vector<2048x128xf32>
    %get3A_23 = arith.constant 0 : index
    %get3A_24 = arith.constant 0 : index
    %get3A_25 = vector.load %arg4[%get3A_23, %get3A_24] : memref<128x64xf32, #tpu.memory_space<vmem>>, vector<128x64xf32>
    %dot_general3A = arith.constant dense<0.000000e+00> : vector<2048x64xf32>
    %dot_general3A_26 = tpu.matmul %add3A_22, %get3A_25, %dot_general3A {dimension_numbers = #tpu.dot_dimension_numbers<[1], [0], [0], [1], [0, 0, 1, 1], [], []>, transpose_lhs_hint = false} : vector<2048x128xf32>, vector<128x64xf32>, vector<2048x64xf32> -> vector<2048x64xf32>
    %get3A_27 = arith.constant 0 : index
    %get3A_28 = arith.constant 0 : index
    %get3A_29 = vector.load %arg5[%get3A_27, %get3A_28] : memref<1x64xf32, #tpu.memory_space<vmem>>, vector<1x64xf32>
    %add3A_30 = vector.broadcast %get3A_29 : vector<1x64xf32> to vector<2048x64xf32>
    %add3A_31 = arith.addf %dot_general3A_26, %add3A_30 : vector<2048x64xf32>
    %reduce_max3A = arith.constant dense<0xFF800000> : vector<2048xf32>
    %reduce_max3A_32 = vector.multi_reduction <maximumf>, %add3A_31, %reduce_max3A [1] : vector<2048x64xf32> to vector<2048xf32>
    %broadcast_in_dim3A = vector.shape_cast %reduce_max3A_32 : vector<2048xf32> to vector<2048x1xf32>
    %sub3A = vector.broadcast %broadcast_in_dim3A : vector<2048x1xf32> to vector<2048x64xf32>
    %sub3A_33 = arith.subf %add3A_31, %sub3A : vector<2048x64xf32>
    %exp3A = math.exp %sub3A_33 : vector<2048x64xf32>
    %reduce_sum3A = arith.constant dense<0.000000e+00> : vector<2048xf32>
    %reduce_sum3A_34 = vector.multi_reduction <add>, %exp3A, %reduce_sum3A [1] : vector<2048x64xf32> to vector<2048xf32>
    %broadcast_in_dim3A_35 = vector.shape_cast %reduce_sum3A_34 : vector<2048xf32> to vector<2048x1xf32>
    %log3A = math.log %broadcast_in_dim3A_35 : vector<2048x1xf32>
    %add3A_36 = arith.addf %log3A, %broadcast_in_dim3A : vector<2048x1xf32>
    %sub3A_37 = vector.broadcast %add3A_36 : vector<2048x1xf32> to vector<2048x64xf32>
    %sub3A_38 = arith.subf %add3A_31, %sub3A_37 : vector<2048x64xf32>
    %swap3A = arith.constant 0 : index
    %swap3A_39 = arith.constant 0 : index
    %swap3A_40 = vector.load %arg6[%swap3A, %swap3A_39] : memref<2048x64xf32, #tpu.memory_space<vmem>>, vector<2048x64xf32>
    tpu.vector_store %arg6[%swap3A, %swap3A_39], %sub3A_38 {strides = array<i32>} : memref<2048x64xf32, #tpu.memory_space<vmem>>, vector<2048x64xf32>,
    return
  }
  func.func @transform_0(%arg0: i32) -> (i32, i32, i32) {
    %c0_i32 = arith.constant 0 : i32
    %c0_i32_0 = arith.constant 0 : i32
    %c0_i32_1 = arith.constant 0 : i32
    return %c0_i32, %arg0, %c0_i32_0 : i32, i32, i32
  }
  func.func @transform_1(%arg0: i32) -> (i32, i32) {
    %c0_i32 = arith.constant 0 : i32
    %c0_i32_0 = arith.constant 0 : i32
    return %arg0, %c0_i32 : i32, i32
  }
  func.func @transform_2(%arg0: i32) -> (i32, i32) {
    %c0_i32 = arith.constant 0 : i32
    %c0_i32_0 = arith.constant 0 : i32
    return %arg0, %c0_i32 : i32, i32
  }
  func.func @transform_3(%arg0: i32) -> (i32, i32) {
    %c0_i32 = arith.constant 0 : i32
    %c0_i32_0 = arith.constant 0 : i32
    %c0_i32_1 = arith.constant 0 : i32
    return %c0_i32, %c0_i32_0 : i32, i32
  }
  func.func @transform_4(%arg0: i32) -> (i32, i32) {
    %c0_i32 = arith.constant 0 : i32
    %c0_i32_0 = arith.constant 0 : i32
    %c0_i32_1 = arith.constant 0 : i32
    return %c0_i32, %c0_i32_0 : i32, i32
  }
  func.func @transform_5(%arg0: i32) -> (i32, i32) {
    %c0_i32 = arith.constant 0 : i32
    %c0_i32_0 = arith.constant 0 : i32
    return %arg0, %c0_i32 : i32, i32
  }
}

</mosaic_0001>

<sc_bundles>
// kernel: kernel.6.cloned.1.call-start
scs
__scs_entry_jumppad:
0x0: {  	(pc) =	sbr.rel $0x88, $3  }
0x1: {  	(tag) =	ssettag $0x0;
	lr =	simm.s32 $0x1  }
0x2: {  	[smem:$0x3F99] =	sst lr;
	_ =	strace $0xD0000000  }
0x3: {  	_ = 	snop  }
0x4: {  	_ = 	snop  }
0x5: {  	_ = 	snop  }
0x6: {  	_ = 	snop  }
0x7: {  	_ = 	snop  }
__scs_overlays_trampoline_lowered:
0x8: {  	[smem:$0x3FA8] =	sst s0  }
0x9: {  	[smem:$0x3FA9] =	sst s1  }
0xa: {  	[smem:$0x3FAA] =	sst s2  }
0xb: {  	[smem:$0x3FAB] =	sst s3  }
0xc: {  	[smem:$0x3FAC] =	sst s4  }
0xd: {  	[smem:$0x3FAD] =	sst s5  }
0xe: {  	[smem:$0x3FAE] =	sst s6  }
0xf: {  	[smem:$0x3FAF] =	sst s7  }
0x10: {  	[smem:$0x3FB0] =	sst s8  }
0x11: {  	[smem:$0x3FB1] =	sst s9;
	s0 =	simm.s32 @!p0 $0x0  }
0x12: {  	s1 =	sld [smem:$0x3F97];
	s0 =	simm.s32 @p0 $0x1  }
0x13: {  	[smem:$0x3FB2] =	sst s0;
	s0 =	simm.s32 @!p1 $0x0  }
0x14: {  	s2 =	sld [smem:$0x3F96];
	s0 =	simm.s32 @p1 $0x1  }
0x15: {  	[smem:$0x3FB3] =	sst s0;
	s0 =	simm.s32 @!p2 $0x0  }
0x16: {  	s3 =	sld [smem:$0x3FDB];
	s0 =	simm.s32 @p2 $0x1  }
0x17: {  	s4 =	simm.s32 $0x1BF5;
	[smem:$0x3FB5] =	sst s0  }
0x18: {  	s0 =	sld [smem:$0x3F98];
	_ =	swait.ge [sflag:s4], $0x0  }
0x19: {  	s7 =	sld [smem:$0x3F99]  }
0x1a: {  	s8 =	sadd.s32 $0xFFFFE003, lr  }
0x1b: {  	s9 =	sadd.s32 $0xFFFFFEF7, lr;
	s5 =	simm.s32 $0xFFFFFFFF;
	p2 =	slt.u32 s8, $0xFFFFF086  }
0x1c: {  	p1 =	slt.u32 s9, $0xF7A;
	s5 =	simm.s32 @!p2 $0x0  }
0x1d: {  	s5 =	simm.s32 @p1 $0x1;
	p0 =	seq.s32 s7, s2  }
0x1e: {  	s7 =	smul.u32 @!p0 $0xF7A, s2;
	p2 =	seq.s32 @!p0 s5, $0x0  }
0x1f: {  	s9 =	smul.u32 $0xF7A, s1;
	s8 =	simm.s32 @!p0 $0x1BF5;
	p2 =	por !p2, p0  }
0x20: {  	[sflag:s8] =	ssyncset.s32 @!p0 $0xFFFFF086;
	s6 =	sadd.s32 @!p0 s3, s7;
	s7 =	simm.s32 @!p0 $0x108  }
0x21: {  	s3 =	sadd.s32 s3, s9;
	s6 =	sadd.s32 @!p0 $0x88, s6;
	s7 =	simm.s32 @p2 $0x1082  }
0x22: {  	[simem:s7], [sflag:s8] =	dma.local @!p0 [hbm:s6], $0xF7A  }
0x23: {  	s9 =	sor.u32 $0xD0000000, s2;
	s6 =	simm.s32 $0x108;
	_ =	swait.ge @!p0 [sflag:s8], $0x0  }
0x24: {  	s3 =	sadd.s32 $0x88, s3;
	s6 =	simm.s32 @!p1 $0x1082;
	[sflag:s4] =	ssyncset.s32 $0xFFFFF086  }
0x25: {  	[simem:s6], [sflag:s4] =	dma.local [hbm:s3], $0xF7A  }
0x26: {  	[smem:$0x3F99] =	sst s1;
	(tag) =	ssettag s2;
	_ =	strace s9  }
0x27: {  	s1 =	sld [smem:$0x3FA9]  }
0x28: {  	s2 =	sld [smem:$0x3FAA]  }
0x29: {  	s4 =	sld [smem:$0x3FAC]  }
0x2a: {  	p0 =	seq.s32 s5, $0x0;
	s5 =	sld [smem:$0x3FAD]  }
0x2b: {  	s6 =	sld [smem:$0x3FAE]  }
0x2c: {  	s7 =	sld [smem:$0x3FAF]  }
0x2d: {  	s3 =	simm.s32 $0x108;
	s8 =	sld [smem:$0x3FB0]  }
0x2e: {  	s3 =	simm.s32 @!p0 $0x1082;
	s9 =	sld [smem:$0x3FB1]  }
0x2f: {  	lr =	sadd.s32 s0, s3;
	s0 =	sld [smem:$0x3FA8]  }
0x30: {  	s3 =	sld [smem:$0x3FAB]  }
0x31: {  	[smem:$0x3FB4] =	sst s10  }
0x32: {  	s10 =	sld [smem:$0x3FB2];
	_ =	sdelay $0x3  }
0x33: {  	p0 =	seq.s32 s10, $0x1;
	s10 =	sld [smem:$0x3FB4];
	_ =	sdelay $0x3  }
0x34: {  	[smem:$0x3FB4] =	sst s10  }
0x35: {  	s10 =	sld [smem:$0x3FB3];
	_ =	sdelay $0x3  }
0x36: {  	p1 =	seq.s32 s10, $0x1;
	s10 =	sld [smem:$0x3FB4];
	_ =	sdelay $0x3  }
0x37: {  	[smem:$0x3FB4] =	sst s10  }
0x38: {  	s10 =	sld [smem:$0x3FB5]  }
0x39: {  	_ = 	snop;
	(pc) =	sbr.ind lr, $3  }
0x3a: {  	_ = 	snop  }
0x3b: {  	_ = 	snop  }
0x3c: {  	p2 =	seq.s32 s10, $0x1;
	s10 =	sld [smem:$0x3FB4]  }
0x3d: {  	_ =	shalt  }
0x3e: {  	_ =	shalt  }
0x3f: {  	_ =	shalt  }
0x40: {  	_ =	shalt  }
0x41: {  	_ =	shalt  }
0x42: {  	_ =	shalt  }
0x43: {  	_ =	shalt  }
0x44: {  	_ =	shalt  }
0x45: {  	_ =	shalt  }
0x46: {  	_ =	shalt  }
0x47: {  	_ =	shalt  }
0x48: {  	_ =	shalt  }
0x49: {  	_ =	shalt  }
0x4a: {  	_ =	shalt  }
0x4b: {  	_ =	shalt  }
0x4c: {  	_ =	shalt  }
0x4d: {  	_ =	shalt  }
0x4e: {  	_ =	shalt  }
0x4f: {  	_ =	shalt  }
0x50: {  	_ =	shalt  }
0x51: {  	_ =	shalt  }
0x52: {  	_ =	shalt  }
0x53: {  	_ =	shalt  }
0x54: {  	_ =	shalt  }
0x55: {  	_ =	shalt  }
0x56: {  	_ =	shalt  }
0x57: {  	_ =	shalt  }
0x58: {  	_ =	shalt  }
0x59: {  	_ =	shalt  }
0x5a: {  	_ =	shalt  }
0x5b: {  	_ =	shalt  }
0x5c: {  	_ =	shalt  }
0x5d: {  	_ =	shalt  }
0x5e: {  	_ =	shalt  }
0x5f: {  	_ =	shalt  }
0x60: {  	_ =	shalt  }
0x61: {  	_ =	shalt  }
0x62: {  	_ =	shalt  }
0x63: {  	_ =	shalt  }
0x64: {  	_ =	shalt  }
0x65: {  	_ =	shalt  }
0x66: {  	_ =	shalt  }
0x67: {  	_ =	shalt  }
0x68: {  	_ =	shalt  }
0x69: {  	_ =	shalt  }
0x6a: {  	_ =	shalt  }
0x6b: {  	_ =	shalt  }
0x6c: {  	_ =	shalt  }
0x6d: {  	_ =	shalt  }
0x6e: {  	_ =	shalt  }
0x6f: {  	_ =	shalt  }
0x70: {  	_ =	shalt  }
0x71: {  	_ =	shalt  }
0x72: {  	_ =	shalt  }
0x73: {  	_ =	shalt  }
0x74: {  	_ =	shalt  }
0x75: {  	_ =	shalt  }
0x76: {  	_ =	shalt  }
0x77: {  	_ =	shalt  }
0x78: {  	_ =	shalt  }
0x79: {  	_ =	shalt  }
0x7a: {  	_ =	shalt  }
0x7b: {  	_ =	shalt  }
0x7c: {  	_ =	shalt  }
0x7d: {  	_ =	shalt  }
0x7e: {  	_ =	shalt  }
0x7f: {  	_ =	shalt  }
0x80: {  	_ =	shalt  }
0x81: {  	_ =	shalt  }
0x82: {  	_ =	shalt  }
0x83: {  	_ =	shalt  }
0x84: {  	_ =	shalt  }
0x85: {  	_ =	shalt  }
0x86: {  	_ =	shalt  }
0x87: {  	_ =	shalt  }
.Lfunc_end0:
.L_simem_size_0:
called_computation_lowered:
.L_overlay_start_0:
0x88: {  	s2 =	sld [smem:$0x3FD9]  }
0x89: {  	s3 =	sld [smem:$0x3FFE];
	_ =	sdelay $0x1  }
0x8a: {  	s1 =	srdreg.scid  }
0x8b: {  	s0 =	sand.u32 $0x1, s1  }
0x8c: {  	s16 =	sshll.u32 s0, $0xA;
	s2 =	sadd.s32 s3, s2  }
0x8d: {  	s2 =	sadd.s32 s2, s16  }
0x8e: {  	[smem:$0x3FC0] =	sst s2  }
0x8f: {  	_ = 	snop  }
0x90: {  	(tm) =	ssettm $0x1  }
0x91: {  	s17 =	sld [smem:$0x3FFB];
	_ =	sdelay $0x3  }
0x92: {  	_ =	strace s17  }
0x93: {  	s2 =	sld [smem:$0x3FFC];
	_ =	sdelay $0x3  }
0x94: {  	_ =	strace s2  }
0x95: {  	s2 =	sld [smem:$0x3FFD];
	_ =	sdelay $0x3  }
0x96: {  	_ =	strace s2  }
0x97: {  	_ =	strace $0x8FFFFFFF  }
0x98: {  	s18 =	sld [smem:$0x3FDB];
	_ =	sdelay $0x1  }
0x99: {  	s19 =	simm.s32 $_scs_section_size  }
0x9a: {  	s4 =	simm.s32 $_size__tile_overlayer_lowered;
	s5 =	simm.s32 $_tile_overlayer_lowered  }
0x9b: {  	s22 =	simm.s32 $0x1BFF;
	s21 =	sshll.u32 s5, $0x1;
	s2 =	sadd.s32 s19, s18  }
0x9c: {  	s6 =	simm.s32 $0x0;
	s20 =	sshll.u32 s4, $0x1;
	s4 =	sadd.s32 s21, s2  }
0x9d: {  	[timem:s6], [sflag:s22] =	dma.local [hbm:s4], s20  }
0x9e: {  	_ =	swait.ge [sflag:s22], s20  }
0x9f: {  	s3 =	ssub.s32 $0x0, s20;
	[sflag:s22] =	ssyncset.done $0x0  }
0xa0: {  	[sflag:s22] =	ssyncadd.s32 s3;
	_ =	sdelay $0x1  }
0xa1: {  	s23 =	simm.s32 $0x1B8B  }
0xa2: {  	_ =	swait.ge [sflag:s23], $0x1  }
0xa3: {  	[sflag:s23] =	ssyncset.done $0x0  }
0xa4: {  	s25 =	simm.s32 $0x1B8E;
	s24 =	sld [smem:$0x3FFE];
	[sflag:s23] =	ssyncadd.s32 $0xFFFFFFFF  }
0xa5: {  	s26 =	simm.s32 $execute0_lowered;
	[smem:$0x3FD2] =	sst s25  }
0xa6: {  	s4 =	sshll.u32 s26, $0x1;
	_ =	strace $0x80000046;
	[dreg:$0x1] =	wrdreg $0xFFFFFFFF  }
0xa7: {  	s28 =	simm.s32 $_size_execute0_lowered;
	s2 =	sadd.s32 s2, s4;
	[dreg:$0x0] =	wrdreg $0x0  }
0xa8: {  	s4 =	sshll.u32 s28, $0x1;
	[dreg:$0x2] =	wrdreg s2  }
0xa9: {  	[dreg:$0x3] =	wrdreg s4  }
0xaa: {  	[dreg:$0x4] =	wrdreg $0xC0  }
0xab: {  	_ =	task [dreg:s6], $0x5FFFF  }
0xac: {  	[dreg:$0x1] =	wrdreg $0xFFFFFFFF  }
0xad: {  	[dreg:$0x0] =	wrdreg $0x60  }
0xae: {  	[dreg:$0x2] =	wrdreg s24  }
0xaf: {  	[dreg:$0x3] =	wrdreg $0x18C000  }
0xb0: {  	[dreg:$0x4] =	wrdreg $0x9  }
0xb1: {  	_ =	task.clear_ibuf [dreg:s6], $0x5FFFF;
	_ =	strace $0x90000046  }
0xb2: {  	s29 =	simm.s32 $0x9;
	_ =	strace $0x80000048  }
0xb3: {  	_ =	swait.ge [sflag:s29], $0x1  }
0xb4: {  	[sflag:s29] =	ssyncadd.s32 $0xFFFFFFFF  }
0xb5: {  	_ =	strace $0x90000048  }
0xb6: {  	_ =	sfence  }
0xb7: {  	s30 =	sld [smem:$0x0];
	_ =	sdelay $0x2  }
0xb8: {  	s31 =	sshll.u32 s1, $0xD;
	s1 =	sshrl.u32 s1, $0x2  }
0xb9: {  	s3 =	sand.u32 $0x4000, s31;
	s1 =	sadd.s32 s1, s30  }
0xba: {  	s0 =	sor.u32 s3, s0;
	s1 =	sshll.u32 s1, $0x11  }
0xbb: {  	s0 =	sor.u32 s1, s0  }
0xbc: {  	s0 =	sadd.s32 $0x8F2B, s0  }
0xbd: {  	[sflag:s0] =	ssyncadd.remote.s32 $0x1  }
0xbe: {  	_ =	sfence.sel $0xFFFF  }
0xbf: {  	[dreg:$0x0] =	wrdreg $0xFFFFFFFF;
	(pc) =	sbr.abs _section_cstart, $3  }
0xc0: {  	[dreg:$0x1] =	wrdreg $0xFFFFFFFF  }
0xc1: {  	_ =	task.clear_ibuf [dreg:s6], $0x2FFFF;
	_ =	strace $0x9FFFFFFF  }
0xc2: {  	(tm) =	ssettm $0x7FFFFFFF  }
0xc3: {  	_ =	shalt  }
tec
execute0_lowered:
.L_overlay_start_1:
0x0: {  	(tag) =	ssettag $0x1  }
0x1: {  	s0 =	srdreg.scid;
	s4 =	rddreg [dreg:$0x0]  }
0x2: {  	s6 =	rddreg [dreg:$0x1];
	s2 =	simm.s32 $0x0;
	s12 =	simm.s32 $0x400  }
0x3: {  	s13 =	simm.s32 $0x1400;
	s14 =	simm.s32 $0x14000;
	s15 =	simm.s32 $0x16400  }
0x4: {  	s16 =	simm.s32 $0x100;
	s17 =	simm.s32 $0x0;
	s3 =	sand.u32 $0x1, s0  }
0x5: {  	s0 =	stileid.u32;
	[smem:$0x7FF] =	sst s2;
	s1 =	sshll.u32 s3, $0x4  }
0x6: {  	s7 =	smul.u32 $0x500, s0;
	s8 =	sshll.u32 s3, $0x7;
	s29 =	sshrl.u32 s0, $0x3  }
0x7: {  	s9 =	ssub.s32 $0x2, s3;
	s3 =	sadd.s32 $0x50800, s4;
	s10 =	sshll.u32 s0, $0x7  }
0x8: {  	s11 =	smul.u32 $0x5000, s0;
	s5 =	sor.u32 s0, s1;
	s1 =	rddreg [dreg:$0x2]  }
0x9: {  	_ =	strace $0x80000047;
	s30 =	sshrl.u32 s9, $0x1;
	s5 =	smul.u32 $0x2780, s5  }
0xa: {  	s10 =	sand.u32 $0x380, s10;
	s7 =	sor.u32 s8, s7;
	s8 =	smul.u32 $0x50000, s29  }
0xb: {  	s9 =	ssub.s32 s9, s30;
	s31 =	sshrl.u32 s11, $0x2;
	s11 =	simm.s32 $0x80  }
0xc: {  	s7 =	sshrl.u32 s7, $0x3;
	s5 =	sadd.s32 s5, s4;
	s8 =	sshrl.u32 s8, $0x2  }
0xd: {  	s7 =	sadd.s32 s7, s4;
	s8 =	sadd.s32 s8, s6;
	s4 =	sadd.s32 $0x1800, s5  }
0xe: {  	s6 =	sadd.s32 s31, s6;
	s7 =	sadd.s32 $0x50E00, s7;
	s5 =	sadd.s32 s10, s8  }
0xf: {  	v0 =	vimm.f32 $1.000000000e+00;
	s8 =	smax.u32 s9, $0x1;
	s9 =	simm.s32 $0x13C00;
	s10 =	simm.s32 $0x1  }
.LBB2_1:
0x10: {  	[tilespmem:s9], [sflag:$0x1] =	stream.linear.gather [hbm4b:s3+s2], $0x2800, $0x38;
	[tilespmem:$0x1B400] =	vst v63  }
0x11: {  	_ =	swait.ge [sflag:s10], $0x2800  }
0x12: {  	[sflag:s10] =	ssyncset.done $0x0  }
0x13: {  	[sflag:s10] =	ssyncadd.s32 $0xFFFFD800  }
0x14: {  	[tilespmem:s2], [sflag:$0x1] =	stream.linear.gather [hbm4b:s4+s2], $0x13B00, $0x38;
	[tilespmem:$0x1B400] =	vst v63  }
0x15: {  	_ =	swait.ge [sflag:s10], $0x13B00  }
0x16: {  	[sflag:s10] =	ssyncset.done $0x0  }
0x17: {  	s19 =	simm.s32 $0x0;
	s18 =	simm.s32 $0x200;
	[sflag:s10] =	ssyncadd.s32 $0xFFFEC500  }
.LBB2_2:
0x18: {  	p0 =	sne.s32 s18, $0x4EA00;
	v1 =	vld [tilespmem:s19+$0x0];
	_ =	sdelay $0x3  }
.Ltmp0:
0x19: {  	(pc) =	sbr.rel @p0 .LBB2_2-.Ltmp0, $2  }
0x1a: {  	_ =	sdelay $0x2  }
0x1b: {  	s19 =	sshra.s32 s18, $0x2;
	s18 =	sadd.s32 $0x200, s18;
	[tilespmem:v1+s9+$0x0] =	vst.idx.add.f32.msk $0xffff, v0  }
0x1c: {  	v1 =	vld [tilespmem:s19+$0x0];
	_ =	sdelay $0x7  }
0x1d: {  	s18 =	simm.s32 $0x13C00;
	[tilespmem:v1+s9+$0x0] =	vst.idx.add.f32.msk $0xffff, v0  }
0x1e: {  	[spmem:s5] =	stream.strided.scatter [tilespmem:s18], [sflag:$0x1], $0x2800, s12, s11, $0x38;
	[tilespmem:$0x1B400] =	vst v63  }
0x1f: {  	_ =	swait.ge [sflag:s10], $0x2800  }
0x20: {  	[sflag:s10] =	ssyncset.done $0x0  }
0x21: {  	[sflag:s10] =	ssyncadd.s32 $0xFFFFD800  }
0x22: {  	s30 =	simm.s32 $0x0;
	[bflag:$0x0] =	sbarrier.arrive $0xFFFF  }
0x23: {  	[tilespmem:s15], [sflag:$0x1] =	stream.strided.gather [spmem:s6], $0x2800, s14, s13, $0x38;
	[tilespmem:$0x1B400] =	vst v63  }
0x24: {  	s20 =	sand.u32 $0x70, s30;
	s19 =	sand.u32 $0x1C00, s30;
	_ =	swait.ge [sflag:s10], $0x2800  }
0x25: {  	s19 =	sor.u32 s20, s19;
	[sflag:s10] =	ssyncset.done $0x0  }
0x26: {  	s20 =	sadd.s32 $0x16400, s19;
	[sflag:s10] =	ssyncadd.s32 $0xFFFFD800  }
0x27: {  	v1 =	vld [tilespmem:s20+$0x80]  }
0x28: {  	v2 =	vld [tilespmem:s19+$0x16400];
	_ =	sdelay $0x1  }
0x29: {  	v3 =	vld [tilespmem:s20+$0x100];
	_ =	sdelay $0x1  }
0x2a: {  	v4 =	vld [tilespmem:s20+$0x180]  }
0x2b: {  	v1 =	vadd.f32 v1, v2  }
0x2c: {  	v2 =	vld [tilespmem:s20+$0x200]  }
0x2d: {  	v1 =	vadd.f32 v3, v1  }
0x2e: {  	v3 =	vld [tilespmem:s20+$0x280]  }
0x2f: {  	v1 =	vadd.f32 v4, v1  }
0x30: {  	v60 =	vld [tilespmem:s20+$0x300]  }
0x31: {  	v1 =	vadd.f32 v2, v1  }
0x32: {  	v2 =	vld [tilespmem:s20+$0x380]  }
0x33: {  	v1 =	vadd.f32 v3, v1  }
0x34: {  	v3 =	vld [tilespmem:s19+$0x17800]  }
0x35: {  	v1 =	vadd.f32 v60, v1  }
0x36: {  	v61 =	vld [tilespmem:s19+$0x17880]  }
0x37: {  	v1 =	vadd.f32 v2, v1  }
0x38: {  	v2 =	vld [tilespmem:s19+$0x17900]  }
0x39: {  	v1 =	vadd.f32 v3, v1  }
0x3a: {  	v3 =	vld [tilespmem:s19+$0x17980]  }
0x3b: {  	v1 =	vadd.f32 v61, v1  }
0x3c: {  	v62 =	vld [tilespmem:s19+$0x17A00]  }
0x3d: {  	v1 =	vadd.f32 v2, v1  }
0x3e: {  	v2 =	vld [tilespmem:s19+$0x17A80]  }
0x3f: {  	v1 =	vadd.f32 v3, v1  }
0x40: {  	v3 =	vld [tilespmem:s19+$0x17B00]  }
0x41: {  	v1 =	vadd.f32 v62, v1  }
0x42: {  	v63 =	vld [tilespmem:s19+$0x17B80]  }
0x43: {  	v1 =	vadd.f32 v2, v1;
	_ =	sdelay $0x1  }
0x44: {  	v1 =	vadd.f32 v3, v1  }
0x45: {  	s31 =	simm.s32 $0x10;
	s20 =	simm.s32 $0x80  }
0x46: {  	s21 =	sand.u32 $0x1C00, s20;
	s19 =	sand.u32 $0x70, s31;
	v1 =	vadd.f32 v63, v1  }
0x47: {  	s19 =	sor.u32 s19, s21;
	s21 =	simm.s32 $0x20  }
.LBB2_4:
0x48: {  	p0 =	sne.s32 s21, $0x270;
	s22 =	sadd.s32 $0x16400, s19;
	[tilespmem:s18+$0x0] =	vst v1  }
0x49: {  	v1 =	vld [tilespmem:s22+$0x80]  }
0x4a: {  	v2 =	vld [tilespmem:s19+$0x16400];
	_ =	sdelay $0x1  }
0x4b: {  	v3 =	vld [tilespmem:s22+$0x100];
	_ =	sdelay $0x1  }
0x4c: {  	v4 =	vld [tilespmem:s22+$0x180]  }
0x4d: {  	v1 =	vadd.f32 v1, v2  }
0x4e: {  	v2 =	vld [tilespmem:s22+$0x200]  }
0x4f: {  	v1 =	vadd.f32 v3, v1  }
0x50: {  	v3 =	vld [tilespmem:s22+$0x280]  }
0x51: {  	v1 =	vadd.f32 v4, v1  }
0x52: {  	v4 =	vld [tilespmem:s22+$0x300]  }
0x53: {  	v1 =	vadd.f32 v2, v1  }
0x54: {  	v2 =	vld [tilespmem:s22+$0x380]  }
0x55: {  	v1 =	vadd.f32 v3, v1  }
0x56: {  	v3 =	vld [tilespmem:s19+$0x17800]  }
0x57: {  	v1 =	vadd.f32 v4, v1  }
0x58: {  	v4 =	vld [tilespmem:s19+$0x17880]  }
0x59: {  	v1 =	vadd.f32 v2, v1  }
0x5a: {  	v2 =	vld [tilespmem:s19+$0x17900]  }
0x5b: {  	v1 =	vadd.f32 v3, v1  }
0x5c: {  	v3 =	vld [tilespmem:s19+$0x17980]  }
0x5d: {  	v1 =	vadd.f32 v4, v1  }
0x5e: {  	v4 =	vld [tilespmem:s19+$0x17A00]  }
0x5f: {  	v1 =	vadd.f32 v2, v1  }
0x60: {  	v2 =	vld [tilespmem:s19+$0x17A80]  }
0x61: {  	v1 =	vadd.f32 v3, v1  }
0x62: {  	v3 =	vld [tilespmem:s19+$0x17B00]  }
0x63: {  	v1 =	vadd.f32 v4, v1  }
0x64: {  	v4 =	vld [tilespmem:s19+$0x17B80]  }
0x65: {  	v1 =	vadd.f32 v2, v1  }
.Ltmp1:
0x66: {  	(pc) =	sbr.rel @p0 .LBB2_4-.Ltmp1, $4  }
0x67: {  	v1 =	vadd.f32 v3, v1  }
0x68: {  	s20 =	sadd.s32 $0x80, s20  }
0x69: {  	s22 =	sand.u32 $0x1C00, s20;
	s19 =	sand.u32 $0x70, s21;
	v1 =	vadd.f32 v4, v1  }
0x6a: {  	s18 =	sadd.s32 $0x10, s18;
	s21 =	sadd.s32 $0x10, s21;
	s19 =	sor.u32 s19, s22  }
0x6b: {  	s20 =	sadd.s32 $0x16400, s19;
	[tilespmem:s18+$0x0] =	vst v1  }
0x6c: {  	v1 =	vld [tilespmem:s20+$0x80]  }
0x6d: {  	v2 =	vld [tilespmem:s19+$0x16400];
	_ =	sdelay $0x1  }
0x6e: {  	v3 =	vld [tilespmem:s20+$0x100];
	_ =	sdelay $0x1  }
0x6f: {  	v4 =	vld [tilespmem:s20+$0x180]  }
0x70: {  	v1 =	vadd.f32 v1, v2  }
0x71: {  	v2 =	vld [tilespmem:s20+$0x200]  }
0x72: {  	v1 =	vadd.f32 v3, v1  }
0x73: {  	v3 =	vld [tilespmem:s20+$0x280]  }
0x74: {  	v1 =	vadd.f32 v4, v1  }
0x75: {  	v60 =	vld [tilespmem:s20+$0x300]  }
0x76: {  	v1 =	vadd.f32 v2, v1  }
0x77: {  	v2 =	vld [tilespmem:s20+$0x380]  }
0x78: {  	v1 =	vadd.f32 v3, v1  }
0x79: {  	v3 =	vld [tilespmem:s19+$0x17800]  }
0x7a: {  	v1 =	vadd.f32 v60, v1  }
0x7b: {  	v61 =	vld [tilespmem:s19+$0x17880]  }
0x7c: {  	v1 =	vadd.f32 v2, v1  }
0x7d: {  	v2 =	vld [tilespmem:s19+$0x17900]  }
0x7e: {  	v1 =	vadd.f32 v3, v1  }
0x7f: {  	v3 =	vld [tilespmem:s19+$0x17980]  }
0x80: {  	v1 =	vadd.f32 v61, v1  }
0x81: {  	v62 =	vld [tilespmem:s19+$0x17A00]  }
0x82: {  	v1 =	vadd.f32 v2, v1  }
0x83: {  	v2 =	vld [tilespmem:s19+$0x17A80]  }
0x84: {  	v1 =	vadd.f32 v3, v1  }
0x85: {  	v3 =	vld [tilespmem:s19+$0x17B00]  }
0x86: {  	v1 =	vadd.f32 v62, v1  }
0x87: {  	v63 =	vld [tilespmem:s19+$0x17B80]  }
0x88: {  	v1 =	vadd.f32 v2, v1;
	_ =	sdelay $0x1  }
0x89: {  	v1 =	vadd.f32 v3, v1;
	_ =	sdelay $0x1  }
0x8a: {  	s17 =	sadd.s32 $0x1, s17;
	v1 =	vadd.f32 v63, v1  }
0x8b: {  	s31 =	sadd.s32 $0x10, s18;
	p0 =	sne.s32 s17, s8  }
.Ltmp2:
0x8c: {  	[tilespmem:s31+$0x0] =	vst v1;
	(pc) =	sbr.rel @p0 .LBB2_1-.Ltmp2, $4  }
0x8d: {  	[hbm4b:s7+s11] =	stream.strided.scatter [tilespmem:s9], [sflag:$0x1], $0x280, s16, s11, $0x38;
	[tilespmem:$0x1B400] =	vst v63  }
0x8e: {  	_ =	swait.ge [sflag:s10], $0x280  }
0x8f: {  	[sflag:s10] =	ssyncset.done $0x0  }
0x90: {  	[sflag:s10] =	ssyncadd.s32 $0xFFFFFD80  }
0x91: {  	_ =	sfence.sel $0x180000  }
0x92: {  	[bflag:$0x0] =	sbarrier.arrive $0xFFFF  }
0x93: {  	p0 =	sne.s32 s0, $0x0;
	_ =	strace $0x90000047  }
0x94: {  	s0 =	sadd.s32 @!p0 $0x100000, s1;
	[bflag:$0x2] =	sbarrier.arrive $0xFFFF  }
0x95: {  	[sflag:s0] =	ssyncadd.tile.s32 @!p0 $0x1;
	_ =	shalt  }
.Lfunc_end2:
_tile_overlayer_lowered:
.L_overlay_start_2:
0x96: {  	(tag) =	ssettag $0x2  }
0x97: {  	s0 =	rddreg [dreg:$0x0];
	s2 =	stileid.u32  }
0x98: {  	s1 =	rddreg [dreg:$0x1];
	p0 =	sne.s32 s2, $0x0  }
0x99: {  	s3 =	rddreg [dreg:$0x2];
	[bflag:$0x3] =	sbarrier.arrive $0xFFFF;
	s2 =	simm.s32 @!p0 $0x1C01  }
0x9a: {  	[timem:s3], [sflag:s2] =	dma.local @!p0 [hbm:s0], s1  }
0x9b: {  	s0 =	simm.s32 @!p0 $0x1  }
0x9c: {  	_ =	swait.ge @!p0 [sflag:s0], s1  }
0x9d: {  	s1 =	ssub.s32 @!p0 $0x0, s1;
	[sflag:s0] =	ssyncset.done @!p0 $0x0  }
0x9e: {  	[sflag:s0] =	ssyncadd.s32 @!p0 s1  }
0x9f: {  	[bflag:$0x3] =	sbarrier.arrive $0xFFFF  }
0xa0: {  	_ =	shalt  }

// kernel: kernel.9.cloned.1.call-start
scs
__scs_entry_jumppad:
0x0: {  	(pc) =	sbr.rel $0x88, $3  }
0x1: {  	(tag) =	ssettag $0x0;
	lr =	simm.s32 $0x1  }
0x2: {  	[smem:$0x3F99] =	sst lr;
	_ =	strace $0xD0000000  }
0x3: {  	_ = 	snop  }
0x4: {  	_ = 	snop  }
0x5: {  	_ = 	snop  }
0x6: {  	_ = 	snop  }
0x7: {  	_ = 	snop  }
__scs_overlays_trampoline_lowered:
0x8: {  	[smem:$0x3FA8] =	sst s0  }
0x9: {  	[smem:$0x3FA9] =	sst s1  }
0xa: {  	[smem:$0x3FAA] =	sst s2  }
0xb: {  	[smem:$0x3FAB] =	sst s3  }
0xc: {  	[smem:$0x3FAC] =	sst s4  }
0xd: {  	[smem:$0x3FAD] =	sst s5  }
0xe: {  	[smem:$0x3FAE] =	sst s6  }
0xf: {  	[smem:$0x3FAF] =	sst s7  }
0x10: {  	[smem:$0x3FB0] =	sst s8  }
0x11: {  	[smem:$0x3FB1] =	sst s9;
	s0 =	simm.s32 @!p0 $0x0  }
0x12: {  	s1 =	sld [smem:$0x3F97];
	s0 =	simm.s32 @p0 $0x1  }
0x13: {  	[smem:$0x3FB2] =	sst s0;
	s0 =	simm.s32 @!p1 $0x0  }
0x14: {  	s2 =	sld [smem:$0x3F96];
	s0 =	simm.s32 @p1 $0x1  }
0x15: {  	[smem:$0x3FB3] =	sst s0;
	s0 =	simm.s32 @!p2 $0x0  }
0x16: {  	s3 =	sld [smem:$0x3FDB];
	s0 =	simm.s32 @p2 $0x1  }
0x17: {  	s4 =	simm.s32 $0x1BF5;
	[smem:$0x3FB5] =	sst s0  }
0x18: {  	s0 =	sld [smem:$0x3F98];
	_ =	swait.ge [sflag:s4], $0x0  }
0x19: {  	s7 =	sld [smem:$0x3F99]  }
0x1a: {  	s8 =	sadd.s32 $0xFFFFE003, lr  }
0x1b: {  	s9 =	sadd.s32 $0xFFFFFEF7, lr;
	s5 =	simm.s32 $0xFFFFFFFF;
	p2 =	slt.u32 s8, $0xFFFFF086  }
0x1c: {  	p1 =	slt.u32 s9, $0xF7A;
	s5 =	simm.s32 @!p2 $0x0  }
0x1d: {  	s5 =	simm.s32 @p1 $0x1;
	p0 =	seq.s32 s7, s2  }
0x1e: {  	s7 =	smul.u32 @!p0 $0xF7A, s2;
	p2 =	seq.s32 @!p0 s5, $0x0  }
0x1f: {  	s9 =	smul.u32 $0xF7A, s1;
	s8 =	simm.s32 @!p0 $0x1BF5;
	p2 =	por !p2, p0  }
0x20: {  	[sflag:s8] =	ssyncset.s32 @!p0 $0xFFFFF086;
	s6 =	sadd.s32 @!p0 s3, s7;
	s7 =	simm.s32 @!p0 $0x108  }
0x21: {  	s3 =	sadd.s32 s3, s9;
	s6 =	sadd.s32 @!p0 $0x88, s6;
	s7 =	simm.s32 @p2 $0x1082  }
0x22: {  	[simem:s7], [sflag:s8] =	dma.local @!p0 [hbm:s6], $0xF7A  }
0x23: {  	s9 =	sor.u32 $0xD0000000, s2;
	s6 =	simm.s32 $0x108;
	_ =	swait.ge @!p0 [sflag:s8], $0x0  }
0x24: {  	s3 =	sadd.s32 $0x88, s3;
	s6 =	simm.s32 @!p1 $0x1082;
	[sflag:s4] =	ssyncset.s32 $0xFFFFF086  }
0x25: {  	[simem:s6], [sflag:s4] =	dma.local [hbm:s3], $0xF7A  }
0x26: {  	[smem:$0x3F99] =	sst s1;
	(tag) =	ssettag s2;
	_ =	strace s9  }
0x27: {  	s1 =	sld [smem:$0x3FA9]  }
0x28: {  	s2 =	sld [smem:$0x3FAA]  }
0x29: {  	s4 =	sld [smem:$0x3FAC]  }
0x2a: {  	p0 =	seq.s32 s5, $0x0;
	s5 =	sld [smem:$0x3FAD]  }
0x2b: {  	s6 =	sld [smem:$0x3FAE]  }
0x2c: {  	s7 =	sld [smem:$0x3FAF]  }
0x2d: {  	s3 =	simm.s32 $0x108;
	s8 =	sld [smem:$0x3FB0]  }
0x2e: {  	s3 =	simm.s32 @!p0 $0x1082;
	s9 =	sld [smem:$0x3FB1]  }
0x2f: {  	lr =	sadd.s32 s0, s3;
	s0 =	sld [smem:$0x3FA8]  }
0x30: {  	s3 =	sld [smem:$0x3FAB]  }
0x31: {  	[smem:$0x3FB4] =	sst s10  }
0x32: {  	s10 =	sld [smem:$0x3FB2];
	_ =	sdelay $0x3  }
0x33: {  	p0 =	seq.s32 s10, $0x1;
	s10 =	sld [smem:$0x3FB4];
	_ =	sdelay $0x3  }
0x34: {  	[smem:$0x3FB4] =	sst s10  }
0x35: {  	s10 =	sld [smem:$0x3FB3];
	_ =	sdelay $0x3  }
0x36: {  	p1 =	seq.s32 s10, $0x1;
	s10 =	sld [smem:$0x3FB4];
	_ =	sdelay $0x3  }
0x37: {  	[smem:$0x3FB4] =	sst s10  }
0x38: {  	s10 =	sld [smem:$0x3FB5]  }
0x39: {  	_ = 	snop;
	(pc) =	sbr.ind lr, $3  }
0x3a: {  	_ = 	snop  }
0x3b: {  	_ = 	snop  }
0x3c: {  	p2 =	seq.s32 s10, $0x1;
	s10 =	sld [smem:$0x3FB4]  }
0x3d: {  	_ =	shalt  }
0x3e: {  	_ =	shalt  }
0x3f: {  	_ =	shalt  }
0x40: {  	_ =	shalt  }
0x41: {  	_ =	shalt  }
0x42: {  	_ =	shalt  }
0x43: {  	_ =	shalt  }
0x44: {  	_ =	shalt  }
0x45: {  	_ =	shalt  }
0x46: {  	_ =	shalt  }
0x47: {  	_ =	shalt  }
0x48: {  	_ =	shalt  }
0x49: {  	_ =	shalt  }
0x4a: {  	_ =	shalt  }
0x4b: {  	_ =	shalt  }
0x4c: {  	_ =	shalt  }
0x4d: {  	_ =	shalt  }
0x4e: {  	_ =	shalt  }
0x4f: {  	_ =	shalt  }
0x50: {  	_ =	shalt  }
0x51: {  	_ =	shalt  }
0x52: {  	_ =	shalt  }
0x53: {  	_ =	shalt  }
0x54: {  	_ =	shalt  }
0x55: {  	_ =	shalt  }
0x56: {  	_ =	shalt  }
0x57: {  	_ =	shalt  }
0x58: {  	_ =	shalt  }
0x59: {  	_ =	shalt  }
0x5a: {  	_ =	shalt  }
0x5b: {  	_ =	shalt  }
0x5c: {  	_ =	shalt  }
0x5d: {  	_ =	shalt  }
0x5e: {  	_ =	shalt  }
0x5f: {  	_ =	shalt  }
0x60: {  	_ =	shalt  }
0x61: {  	_ =	shalt  }
0x62: {  	_ =	shalt  }
0x63: {  	_ =	shalt  }
0x64: {  	_ =	shalt  }
0x65: {  	_ =	shalt  }
0x66: {  	_ =	shalt  }
0x67: {  	_ =	shalt  }
0x68: {  	_ =	shalt  }
0x69: {  	_ =	shalt  }
0x6a: {  	_ =	shalt  }
0x6b: {  	_ =	shalt  }
0x6c: {  	_ =	shalt  }
0x6d: {  	_ =	shalt  }
0x6e: {  	_ =	shalt  }
0x6f: {  	_ =	shalt  }
0x70: {  	_ =	shalt  }
0x71: {  	_ =	shalt  }
0x72: {  	_ =	shalt  }
0x73: {  	_ =	shalt  }
0x74: {  	_ =	shalt  }
0x75: {  	_ =	shalt  }
0x76: {  	_ =	shalt  }
0x77: {  	_ =	shalt  }
0x78: {  	_ =	shalt  }
0x79: {  	_ =	shalt  }
0x7a: {  	_ =	shalt  }
0x7b: {  	_ =	shalt  }
0x7c: {  	_ =	shalt  }
0x7d: {  	_ =	shalt  }
0x7e: {  	_ =	shalt  }
0x7f: {  	_ =	shalt  }
0x80: {  	_ =	shalt  }
0x81: {  	_ =	shalt  }
0x82: {  	_ =	shalt  }
0x83: {  	_ =	shalt  }
0x84: {  	_ =	shalt  }
0x85: {  	_ =	shalt  }
0x86: {  	_ =	shalt  }
0x87: {  	_ =	shalt  }
.Lfunc_end0:
.L_simem_size_0:
called_computation.1_lowered:
.L_overlay_start_0:
0x88: {  	s2 =	sld [smem:$0x3FD9]  }
0x89: {  	s3 =	sld [smem:$0x3FFE];
	_ =	sdelay $0x1  }
0x8a: {  	s1 =	srdreg.scid  }
0x8b: {  	s0 =	sand.u32 $0x1, s1  }
0x8c: {  	s14 =	sshll.u32 s0, $0xA;
	s2 =	sadd.s32 s3, s2  }
0x8d: {  	s2 =	sadd.s32 s2, s14  }
0x8e: {  	[smem:$0x3FC0] =	sst s2  }
0x8f: {  	_ = 	snop  }
0x90: {  	s2 =	sld [smem:$0x3FD0];
	_ =	sdelay $0x2  }
0x91: {  	s15 =	simm.s32 $0xA;
	s4 =	simm.s32 $0x10  }
0x92: {  	[smem:s4], [sflag:s15] =	dma.local [hbm:s2], $0x1  }
0x93: {  	_ =	swait.eq [sflag:s15], $0x1  }
0x94: {  	[sflag:s15] =	ssyncset.done $0x0  }
0x95: {  	[sflag:s15] =	ssyncadd.s32 $0xFFFFFFFF  }
0x96: {  	s16 =	sld [smem:$0x10];
	(tm) =	ssettm $0x1  }
0x97: {  	s17 =	sld [smem:$0x3FFB];
	_ =	sdelay $0x3  }
0x98: {  	_ =	strace s17  }
0x99: {  	s3 =	sld [smem:$0x3FFC];
	_ =	sdelay $0x3  }
0x9a: {  	_ =	strace s3  }
0x9b: {  	s3 =	sld [smem:$0x3FFD];
	_ =	sdelay $0x3  }
0x9c: {  	_ =	strace s3  }
0x9d: {  	_ =	strace $0x8FFFFFFF  }
0x9e: {  	s18 =	sld [smem:$0x3FDB];
	_ =	sdelay $0x1  }
0x9f: {  	s19 =	simm.s32 $_scs_section_size  }
0xa0: {  	s5 =	simm.s32 $_size__tile_overlayer_lowered;
	s6 =	simm.s32 $_tile_overlayer_lowered  }
0xa1: {  	s22 =	simm.s32 $0x1BFF;
	s21 =	sshll.u32 s6, $0x1;
	s3 =	sadd.s32 s19, s18  }
0xa2: {  	s7 =	simm.s32 $0x0;
	s20 =	sshll.u32 s5, $0x1;
	s5 =	sadd.s32 s21, s3  }
0xa3: {  	[timem:s7], [sflag:s22] =	dma.local [hbm:s5], s20  }
0xa4: {  	_ =	swait.ge [sflag:s22], s20  }
0xa5: {  	s4 =	ssub.s32 $0x0, s20;
	[sflag:s22] =	ssyncset.done $0x0  }
0xa6: {  	[sflag:s22] =	ssyncadd.s32 s4;
	_ =	sdelay $0x1  }
0xa7: {  	s23 =	simm.s32 $0x1B8B  }
0xa8: {  	_ =	swait.ge [sflag:s23], $0x1  }
0xa9: {  	[sflag:s23] =	ssyncset.done $0x0  }
0xaa: {  	s25 =	simm.s32 $0x1B8E;
	s24 =	sld [smem:$0x3FFE];
	[sflag:s23] =	ssyncadd.s32 $0xFFFFFFFF  }
0xab: {  	s26 =	simm.s32 $execute0_lowered;
	[smem:$0x3FD2] =	sst s25  }
0xac: {  	s5 =	sshll.u32 s26, $0x1;
	_ =	strace $0x80000049;
	[dreg:$0x1] =	wrdreg $0xFFFFFFFF  }
0xad: {  	s28 =	simm.s32 $_size_execute0_lowered;
	s3 =	sadd.s32 s3, s5;
	[dreg:$0x0] =	wrdreg $0x0  }
0xae: {  	s5 =	sshll.u32 s28, $0x1;
	[dreg:$0x2] =	wrdreg s3  }
0xaf: {  	[dreg:$0x3] =	wrdreg s5  }
0xb0: {  	[dreg:$0x4] =	wrdreg $0xC0  }
0xb1: {  	_ =	task [dreg:s7], $0x5FFFF  }
0xb2: {  	[dreg:$0x1] =	wrdreg $0xFFFFFFFF  }
0xb3: {  	[dreg:$0x0] =	wrdreg $0x60  }
0xb4: {  	[dreg:$0x2] =	wrdreg s16  }
0xb5: {  	[dreg:$0x3] =	wrdreg s24  }
0xb6: {  	[dreg:$0x4] =	wrdreg $0xB7000  }
0xb7: {  	[dreg:$0x5] =	wrdreg $0x9  }
0xb8: {  	_ =	task.clear_ibuf [dreg:s7], $0x6FFFF;
	_ =	strace $0x90000049  }
0xb9: {  	s29 =	simm.s32 $0x9;
	_ =	strace $0x8000004B  }
0xba: {  	_ =	swait.ge [sflag:s29], $0x1  }
0xbb: {  	[sflag:s29] =	ssyncadd.s32 $0xFFFFFFFF  }
0xbc: {  	_ =	strace $0x9000004B  }
0xbd: {  	_ =	sfence  }
0xbe: {  	s30 =	sld [smem:$0x0];
	_ =	sdelay $0x2  }
0xbf: {  	s31 =	sshll.u32 s1, $0xD;
	s1 =	sshrl.u32 s1, $0x2  }
0xc0: {  	s3 =	sand.u32 $0x4000, s31;
	s1 =	sadd.s32 s1, s30  }
0xc1: {  	s0 =	sor.u32 s3, s0;
	s1 =	sshll.u32 s1, $0x11  }
0xc2: {  	s0 =	sor.u32 s1, s0  }
0xc3: {  	s0 =	sadd.s32 $0x8F2B, s0  }
0xc4: {  	[sflag:s0] =	ssyncadd.remote.s32 $0x1  }
0xc5: {  	_ =	sfence.sel $0xFFFF  }
0xc6: {  	[dreg:$0x0] =	wrdreg $0xFFFFFFFF;
	(pc) =	sbr.abs _section_cstart, $3  }
0xc7: {  	[dreg:$0x1] =	wrdreg $0xFFFFFFFF  }
0xc8: {  	_ =	task.clear_ibuf [dreg:s7], $0x2FFFF;
	_ =	strace $0x9FFFFFFF  }
0xc9: {  	(tm) =	ssettm $0x7FFFFFFF  }
tec
execute0_lowered:
.L_overlay_start_1:
0x0: {  	(tag) =	ssettag $0x1  }
0x1: {  	s1 =	rddreg [dreg:$0x0]  }
0x2: {  	s0 =	rddreg [dreg:$0x1]  }
0x3: {  	s2 =	rddreg [dreg:$0x2];
	s3 =	srdreg.scid;
	s4 =	simm.s32 $0x0  }
0x4: {  	s12 =	stileid.u32;
	s28 =	simm.s32 $0x5;
	s29 =	simm.s32 $0x3F00  }
0x5: {  	s30 =	simm.s32 $0x6;
	s31 =	simm.s32 $0x7B00;
	s13 =	simm.s32 $0x280  }
0x6: {  	s14 =	simm.s32 $0x0;
	s3 =	sand.u32 $0x1, s3;
	[smem:$0x7FF] =	sst s4  }
0x7: {  	s8 =	smul.u32 $0x14000, s12;
	s5 =	sadd.s32 $0x51800, s0;
	s6 =	sadd.s32 $0x1800, s0  }
0x8: {  	s9 =	smul.u32 $0x50000, s12;
	s16 =	sadd.s32 $0x29800, s0;
	s18 =	sshll.u32 s12, $0x6  }
0x9: {  	s7 =	smul.u32 $0x140000, s3;
	s15 =	sshll.u32 s3, $0x4;
	s3 =	ssub.s32 $0x2, s3  }
0xa: {  	_ =	strace $0x8000004A;
	[dreg:$0x4] =	wrdreg s16;
	s11 =	sshrl.u32 s3, $0x1  }
0xb: {  	s17 =	sshrl.u32 s9, $0x2;
	s7 =	sadd.s32 s8, s7;
	s8 =	sor.u32 s12, s15  }
0xc: {  	s3 =	ssub.s32 s3, s11;
	s15 =	sor.u32 $0x1C0A, s18;
	s11 =	simm.s32 $0x3  }
0xd: {  	s12 =	simm.s32 $0x9;
	s10 =	sshrl.u32 s7, $0x3;
	s7 =	smul.u32 $0x2C00, s8  }
0xe: {  	s8 =	sadd.s32 s17, s2;
	s26 =	smax.u32 s3, $0x1;
	[dreg:$0x5] =	wrdreg s15  }
0xf: {  	s3 =	simm.s32 $0x7;
	s0 =	sadd.s32 s10, s0;
	[dreg:$0xd] =	wrdreg s26  }
0x10: {  	s16 =	sshrl.u32 s8, $0x3;
	s26 =	simm.s32 $0x300;
	s8 =	simm.s32 $0x2  }
0x11: {  	s19 =	sshrl.u32 s7, $0x3;
	s0 =	sadd.s32 $0x5C800, s0;
	[dreg:$0xe] =	wrdreg s16  }
0x12: {  	s20 =	sor.u32 $0x10, s19;
	s21 =	sadd.s32 s1, s19;
	[dreg:$0xc] =	wrdreg s0  }
0x13: {  	s23 =	sor.u32 $0x20, s19;
	s10 =	sadd.s32 s5, s19;
	[dreg:$0x6] =	wrdreg s21  }
0x14: {  	s19 =	simm.s32 $0xA;
	s22 =	sadd.s32 s1, s20;
	[dreg:$0x9] =	wrdreg s10  }
0x15: {  	s0 =	simm.s32 $0x1;
	s24 =	sadd.s32 s1, s23;
	[dreg:$0x7] =	wrdreg s22  }
0x16: {  	s9 =	sadd.s32 s5, s20;
	s25 =	sadd.s32 s5, s23;
	[dreg:$0x8] =	wrdreg s24  }
0x17: {  	s20 =	simm.s32 $0x80;
	s21 =	simm.s32 $0x100;
	[dreg:$0xa] =	wrdreg s9  }
0x18: {  	s23 =	simm.s32 $0x200;
	s10 =	simm.s32 $0x8;
	[dreg:$0xb] =	wrdreg s25  }
0x19: {  	s22 =	simm.s32 $0x180;
	s24 =	simm.s32 $0x4;
	s25 =	simm.s32 $0x78  }
.LBB2_1:
0x1a: {  	s9 =	rddreg [dreg:$0x4]  }
0x1b: {  	[spmem:s16], [sflag:s15] =	dma.local [hbm:s9], $0x2800  }
0x1c: {  	_ =	swait.ge [sflag:s19], $0x2800  }
0x1d: {  	[sflag:s19] =	ssyncset.done $0x0  }
0x1e: {  	[sflag:s19] =	ssyncadd.s32 $0xFFFFD800  }
0x1f: {  	[bflag:$0x0] =	sbarrier.arrive $0xFFFF  }
0x20: {  	s18 =	rddreg [dreg:$0x6]  }
0x21: {  	[tilespmem:s4], [sflag:$0x4] =	stream.linear.gather [hbm4b:s18+s4], $0x80, $0x38;
	[tilespmem:$0x1F700] =	vst v63  }
0x22: {  	s15 =	rddreg [dreg:$0x7]  }
0x23: {  	[tilespmem:s20], [sflag:$0x5] =	stream.linear.gather [hbm4b:s15+s4], $0x80, $0x38;
	[tilespmem:$0x1F700] =	vst v63  }
0x24: {  	s16 =	rddreg [dreg:$0x8]  }
0x25: {  	[tilespmem:s21], [sflag:$0x6] =	stream.linear.gather [hbm4b:s16+s4], $0x80, $0x38;
	[tilespmem:$0x1F700] =	vst v63  }
0x26: {  	s17 =	rddreg [dreg:$0x9]  }
0x27: {  	[tilespmem:s22], [sflag:$0x7] =	stream.linear.gather [hbm4b:s17+s4], $0x80, $0x38;
	[tilespmem:$0x1F700] =	vst v63  }
0x28: {  	s18 =	rddreg [dreg:$0xa]  }
0x29: {  	[tilespmem:s23], [sflag:$0x8] =	stream.linear.gather [hbm4b:s18+s4], $0x80, $0x38;
	[tilespmem:$0x1F700] =	vst v63  }
0x2a: {  	s15 =	rddreg [dreg:$0xb]  }
0x2b: {  	[tilespmem:s13], [sflag:$0x9] =	stream.linear.gather [hbm4b:s15+s4], $0x80, $0x38;
	[tilespmem:$0x1F700] =	vst v63  }
0x2c: {  	_ =	swait.ge [sflag:s24], $0x80  }
0x2d: {  	[sflag:s24] =	ssyncset.done $0x0  }
0x2e: {  	[sflag:s24] =	ssyncadd.s32 $0xFFFFFF80  }
0x2f: {  	[tilespmem:s26], [sflag:$0x1] =	stream.indirect.gather [hbm4b:s6+s25], $0x80, s4, s25, $0xb8;
	[tilespmem:$0x1F700] =	vst v63  }
0x30: {  	_ =	swait.ge [sflag:s28], $0x80  }
0x31: {  	[sflag:s28] =	ssyncset.done $0x0  }
0x32: {  	[sflag:s28] =	ssyncadd.s32 $0xFFFFFF80  }
0x33: {  	[tilespmem:s29], [sflag:$0x2] =	stream.indirect.gather [hbm4b:s6+s25], $0x80, s20, s25, $0xb8;
	[tilespmem:$0x1F700] =	vst v63  }
0x34: {  	s16 =	simm.s32 $0x180;
	_ =	swait.ge [sflag:s30], $0x80  }
0x35: {  	s17 =	sand.u32 $0x7C00, s16;
	[sflag:s30] =	ssyncset.done $0x0  }
0x36: {  	s9 =	sand.u32 $0x380, s16;
	s15 =	sadd.s32 s7, s17;
	[sflag:s30] =	ssyncadd.s32 $0xFFFFFF80  }
0x37: {  	[tilespmem:s31], [sflag:$0x3] =	stream.indirect.gather [hbm4b:s6+s25], $0x80, s21, s25, $0xb8;
	[tilespmem:$0x1F700] =	vst v63  }
0x38: {  	s9 =	sor.u32 s9, s15;
	_ =	swait.ge [sflag:s0], $0x3C00  }
0x39: {  	s9 =	sshrl.u32 s9, $0x3;
	[sflag:s0] =	ssyncset.done $0x0  }
0x3a: {  	s18 =	sadd.s32 s1, s9;
	[sflag:s0] =	ssyncadd.s32 $0xFFFFC400  }
0x3b: {  	[tilespmem:s4], [sflag:$0x4] =	stream.linear.gather [hbm4b:s18+s4], $0x80, $0x38;
	[tilespmem:$0x1F700] =	vst v63  }
0x3c: {  	_ =	swait.ge [sflag:s3], $0x80  }
0x3d: {  	[sflag:s3] =	ssyncset.done $0x0  }
0x3e: {  	[sflag:s3] =	ssyncadd.s32 $0xFFFFFF80  }
0x3f: {  	[spmem:s2] =	stream.indirect.scatter.add.f32 [tilespmem:s26], [sflag:$0xA], $0x80, s22, s25, $0xb8;
	[tilespmem:$0x1F700] =	vst v63  }
0x40: {  	_ =	swait.ge [sflag:s19], $0x3C00  }
0x41: {  	[sflag:s19] =	ssyncset.done $0x0  }
0x42: {  	s9 =	sadd.s32 s5, s9;
	[sflag:s19] =	ssyncadd.s32 $0xFFFFC400  }
0x43: {  	[tilespmem:s22], [sflag:$0x7] =	stream.linear.gather [hbm4b:s9+s4], $0x80, $0x38;
	[tilespmem:$0x1F700] =	vst v63  }
0x44: {  	s16 =	simm.s32 $0x200;
	_ =	swait.ge [sflag:s24], $0x80  }
0x45: {  	s17 =	sand.u32 $0x7C00, s16;
	[sflag:s24] =	ssyncset.done $0x0  }
0x46: {  	s15 =	sadd.s32 s7, s17;
	s9 =	sand.u32 $0x380, s16;
	[sflag:s24] =	ssyncadd.s32 $0xFFFFFF80  }
0x47: {  	[tilespmem:s26], [sflag:$0x1] =	stream.indirect.gather [hbm4b:s6+s25], $0x80, s4, s25, $0xb8;
	[tilespmem:$0x1F700] =	vst v63  }
0x48: {  	s9 =	sor.u32 s9, s15;
	_ =	swait.ge [sflag:s8], $0x3C00  }
0x49: {  	s9 =	sshrl.u32 s9, $0x3;
	[sflag:s8] =	ssyncset.done $0x0  }
0x4a: {  	s18 =	sadd.s32 s1, s9;
	[sflag:s8] =	ssyncadd.s32 $0xFFFFC400  }
0x4b: {  	[tilespmem:s20], [sflag:$0x5] =	stream.linear.gather [hbm4b:s18+s4], $0x80, $0x38;
	[tilespmem:$0x1F700] =	vst v63  }
0x4c: {  	_ =	swait.ge [sflag:s10], $0x80  }
0x4d: {  	[sflag:s10] =	ssyncset.done $0x0  }
0x4e: {  	[sflag:s10] =	ssyncadd.s32 $0xFFFFFF80  }
0x4f: {  	[spmem:s2] =	stream.indirect.scatter.add.f32 [tilespmem:s29], [sflag:$0xA], $0x80, s23, s25, $0xb8;
	[tilespmem:$0x1F700] =	vst v63  }
0x50: {  	_ =	swait.ge [sflag:s19], $0x3C00  }
0x51: {  	[sflag:s19] =	ssyncset.done $0x0  }
0x52: {  	s9 =	sadd.s32 s5, s9;
	[sflag:s19] =	ssyncadd.s32 $0xFFFFC400  }
0x53: {  	[tilespmem:s23], [sflag:$0x8] =	stream.linear.gather [hbm4b:s9+s4], $0x80, $0x38;
	[tilespmem:$0x1F700] =	vst v63  }
0x54: {  	_ =	swait.ge [sflag:s28], $0x80  }
0x55: {  	s15 =	sand.u32 $0x7C00, s13;
	[sflag:s28] =	ssyncset.done $0x0  }
0x56: {  	s16 =	sand.u32 $0x380, s13;
	s9 =	sadd.s32 s7, s15;
	[sflag:s28] =	ssyncadd.s32 $0xFFFFFF80  }
0x57: {  	[tilespmem:s29], [sflag:$0x2] =	stream.indirect.gather [hbm4b:s6+s25], $0x80, s20, s25, $0xb8;
	[tilespmem:$0x1F700] =	vst v63  }
0x58: {  	s9 =	sor.u32 s16, s9;
	_ =	swait.ge [sflag:s11], $0x3C00  }
0x59: {  	s9 =	sshrl.u32 s9, $0x3;
	[sflag:s11] =	ssyncset.done $0x0  }
0x5a: {  	s17 =	sadd.s32 s1, s9;
	[sflag:s11] =	ssyncadd.s32 $0xFFFFC400  }
0x5b: {  	[tilespmem:s21], [sflag:$0x6] =	stream.linear.gather [hbm4b:s17+s4], $0x80, $0x38;
	[tilespmem:$0x1F700] =	vst v63  }
0x5c: {  	_ =	swait.ge [sflag:s12], $0x80  }
0x5d: {  	[sflag:s12] =	ssyncset.done $0x0  }
0x5e: {  	[sflag:s12] =	ssyncadd.s32 $0xFFFFFF80  }
0x5f: {  	[spmem:s2] =	stream.indirect.scatter.add.f32 [tilespmem:s31], [sflag:$0xA], $0x80, s13, s25, $0xb8;
	[tilespmem:$0x1F700] =	vst v63  }
0x60: {  	s15 =	simm.s32 $0x400;
	s16 =	simm.s32 $0x300;
	_ =	swait.ge [sflag:s19], $0x3C00  }
0x61: {  	s9 =	sadd.s32 s5, s9;
	s17 =	sand.u32 $0x7C00, s16;
	[sflag:s19] =	ssyncset.done $0x0  }
0x62: {  	s16 =	sand.u32 $0x380, s16;
	s18 =	sadd.s32 s7, s17;
	[sflag:s19] =	ssyncadd.s32 $0xFFFFC400  }
0x63: {  	[tilespmem:s13], [sflag:$0x9] =	stream.linear.gather [hbm4b:s9+s4], $0x80, $0x38;
	[tilespmem:$0x1F700] =	vst v63  }
0x64: {  	s17 =	sor.u32 s16, s18;
	s16 =	simm.s32 $0x580;
	_ =	swait.ge [sflag:s30], $0x80  }
.LBB2_2:
0x65: {  	s18 =	sshrl.u32 s17, $0x3  }
0x66: {  	[sflag:s30] =	ssyncset.done $0x0;
	s17 =	smov.u32 s16;
	s9 =	sadd.s32 $0x180, s16  }
0x67: {  	p0 =	sne.s32 s16, $0x2980;
	[sflag:s30] =	ssyncadd.s32 $0xFFFFFF80  }
0x68: {  	[tilespmem:s31], [sflag:$0x3] =	stream.indirect.gather [hbm4b:s6+s25], $0x80, s21, s25, $0xb8;
	[tilespmem:$0x1F700] =	vst v63  }
0x69: {  	_ =	swait.ge [sflag:s0], $0x3C00  }
0x6a: {  	s16 =	sadd.s32 s1, s18;
	[sflag:s0] =	ssyncset.done $0x0  }
0x6b: {  	[sflag:s0] =	ssyncadd.s32 $0xFFFFC400  }
0x6c: {  	[tilespmem:s4], [sflag:$0x4] =	stream.linear.gather [hbm4b:s16+s4], $0x80, $0x38;
	[tilespmem:$0x1F700] =	vst v63  }
0x6d: {  	_ =	swait.ge [sflag:s3], $0x80  }
0x6e: {  	[sflag:s3] =	ssyncset.done $0x0  }
0x6f: {  	[sflag:s3] =	ssyncadd.s32 $0xFFFFFF80  }
0x70: {  	[spmem:s2] =	stream.indirect.scatter.add.f32 [tilespmem:s26], [sflag:$0xA], $0x80, s22, s25, $0xb8;
	[tilespmem:$0x1F700] =	vst v63  }
0x71: {  	_ =	swait.ge [sflag:s19], $0x3C00  }
0x72: {  	s16 =	sadd.s32 s5, s18;
	[sflag:s19] =	ssyncset.done $0x0  }
0x73: {  	[sflag:s19] =	ssyncadd.s32 $0xFFFFC400  }
0x74: {  	[tilespmem:s22], [sflag:$0x7] =	stream.linear.gather [hbm4b:s16+s4], $0x80, $0x38;
	[tilespmem:$0x1F700] =	vst v63  }
0x75: {  	s16 =	sadd.s32 $0xFFFFFF80, s15;
	_ =	swait.ge [sflag:s24], $0x80  }
0x76: {  	s18 =	sand.u32 $0x7C00, s16;
	[sflag:s24] =	ssyncset.done $0x0  }
0x77: {  	s16 =	sand.u32 $0x380, s16;
	s18 =	sadd.s32 s7, s18;
	[sflag:s24] =	ssyncadd.s32 $0xFFFFFF80  }
0x78: {  	[tilespmem:s26], [sflag:$0x1] =	stream.indirect.gather [hbm4b:s6+s25], $0x80, s4, s25, $0xb8;
	[tilespmem:$0x1F700] =	vst v63  }
0x79: {  	s16 =	sor.u32 s16, s18;
	_ =	swait.ge [sflag:s8], $0x3C00  }
0x7a: {  	s16 =	sshrl.u32 s16, $0x3;
	[sflag:s8] =	ssyncset.done $0x0  }
0x7b: {  	s18 =	sadd.s32 s1, s16;
	[sflag:s8] =	ssyncadd.s32 $0xFFFFC400  }
0x7c: {  	[tilespmem:s20], [sflag:$0x5] =	stream.linear.gather [hbm4b:s18+s4], $0x80, $0x38;
	[tilespmem:$0x1F700] =	vst v63  }
0x7d: {  	_ =	swait.ge [sflag:s10], $0x80  }
0x7e: {  	[sflag:s10] =	ssyncset.done $0x0  }
0x7f: {  	[sflag:s10] =	ssyncadd.s32 $0xFFFFFF80  }
0x80: {  	[spmem:s2] =	stream.indirect.scatter.add.f32 [tilespmem:s29], [sflag:$0xA], $0x80, s23, s25, $0xb8;
	[tilespmem:$0x1F700] =	vst v63  }
0x81: {  	_ =	swait.ge [sflag:s19], $0x3C00  }
0x82: {  	[sflag:s19] =	ssyncset.done $0x0  }
0x83: {  	s16 =	sadd.s32 s5, s16;
	[sflag:s19] =	ssyncadd.s32 $0xFFFFC400  }
0x84: {  	[tilespmem:s23], [sflag:$0x8] =	stream.linear.gather [hbm4b:s16+s4], $0x80, $0x38;
	[tilespmem:$0x1F700] =	vst v63  }
0x85: {  	_ =	swait.ge [sflag:s28], $0x80  }
0x86: {  	[sflag:s28] =	ssyncset.done $0x0  }
0x87: {  	s18 =	sand.u32 $0x380, s15;
	s16 =	sand.u32 $0x7C00, s15;
	[sflag:s28] =	ssyncadd.s32 $0xFFFFFF80  }
0x88: {  	[tilespmem:s29], [sflag:$0x2] =	stream.indirect.gather [hbm4b:s6+s25], $0x80, s20, s25, $0xb8;
	[tilespmem:$0x1F700] =	vst v63  }
0x89: {  	s15 =	smov.u32 s17;
	s16 =	sadd.s32 s7, s16;
	_ =	swait.ge [sflag:s11], $0x3C00  }
0x8a: {  	s16 =	sor.u32 s18, s16;
	[sflag:s11] =	ssyncset.done $0x0  }
0x8b: {  	s16 =	sshrl.u32 s16, $0x3;
	[sflag:s11] =	ssyncadd.s32 $0xFFFFC400  }
0x8c: {  	s17 =	sadd.s32 s1, s16  }
0x8d: {  	[tilespmem:s21], [sflag:$0x6] =	stream.linear.gather [hbm4b:s17+s4], $0x80, $0x38;
	[tilespmem:$0x1F700] =	vst v63  }
0x8e: {  	_ =	swait.ge [sflag:s12], $0x80  }
0x8f: {  	[sflag:s12] =	ssyncset.done $0x0  }
0x90: {  	[sflag:s12] =	ssyncadd.s32 $0xFFFFFF80  }
0x91: {  	[spmem:s2] =	stream.indirect.scatter.add.f32 [tilespmem:s31], [sflag:$0xA], $0x80, s13, s25, $0xb8;
	[tilespmem:$0x1F700] =	vst v63  }
.Ltmp0:
0x92: {  	s17 =	sadd.s32 $0xFFFFFF00, s15;
	_ =	swait.ge [sflag:s19], $0x3C00;
	(pc) =	sbr.rel @p0 .LBB2_2-.Ltmp0, $4  }
0x93: {  	s16 =	sadd.s32 s5, s16;
	s18 =	sand.u32 $0x7C00, s17;
	[sflag:s19] =	ssyncset.done $0x0  }
0x94: {  	s17 =	sand.u32 $0x380, s17;
	s18 =	sadd.s32 s7, s18;
	[sflag:s19] =	ssyncadd.s32 $0xFFFFC400  }
0x95: {  	[tilespmem:s13], [sflag:$0x9] =	stream.linear.gather [hbm4b:s16+s4], $0x80, $0x38;
	[tilespmem:$0x1F700] =	vst v63  }
0x96: {  	s17 =	sor.u32 s17, s18;
	s16 =	smov.u32 s9;
	_ =	swait.ge [sflag:s30], $0x80  }
0x97: {  	[sflag:s30] =	ssyncset.done $0x0  }
0x98: {  	[sflag:s30] =	ssyncadd.s32 $0xFFFFFF80  }
0x99: {  	[tilespmem:s31], [sflag:$0x3] =	stream.indirect.gather [hbm4b:s6+s25], $0x80, s21, s25, $0xb8;
	[tilespmem:$0x1F700] =	vst v63  }
0x9a: {  	_ =	swait.ge [sflag:s0], $0x3C00  }
0x9b: {  	s9 =	sshrl.u32 s17, $0x3;
	[sflag:s0] =	ssyncset.done $0x0  }
0x9c: {  	s16 =	sadd.s32 s1, s9;
	[sflag:s0] =	ssyncadd.s32 $0xFFFFC400  }
0x9d: {  	[tilespmem:s4], [sflag:$0x4] =	stream.linear.gather [hbm4b:s16+s4], $0x80, $0x38;
	[tilespmem:$0x1F700] =	vst v63  }
0x9e: {  	_ =	swait.ge [sflag:s3], $0x80  }
0x9f: {  	[sflag:s3] =	ssyncset.done $0x0  }
0xa0: {  	[sflag:s3] =	ssyncadd.s32 $0xFFFFFF80  }
0xa1: {  	[spmem:s2] =	stream.indirect.scatter.add.f32 [tilespmem:s26], [sflag:$0xA], $0x80, s22, s25, $0xb8;
	[tilespmem:$0x1F700] =	vst v63  }
0xa2: {  	_ =	swait.ge [sflag:s19], $0x3C00  }
0xa3: {  	[sflag:s19] =	ssyncset.done $0x0  }
0xa4: {  	s9 =	sadd.s32 s5, s9;
	[sflag:s19] =	ssyncadd.s32 $0xFFFFC400  }
0xa5: {  	[tilespmem:s22], [sflag:$0x7] =	stream.linear.gather [hbm4b:s9+s4], $0x80, $0x38;
	[tilespmem:$0x1F700] =	vst v63  }
0xa6: {  	s18 =	sadd.s32 $0xFFFFFF80, s15;
	_ =	swait.ge [sflag:s24], $0x80  }
0xa7: {  	s17 =	sand.u32 $0x7C00, s18;
	[sflag:s24] =	ssyncset.done $0x0  }
0xa8: {  	s16 =	sadd.s32 s7, s17;
	s9 =	sand.u32 $0x380, s18;
	[sflag:s24] =	ssyncadd.s32 $0xFFFFFF80  }
0xa9: {  	[tilespmem:s26], [sflag:$0x1] =	stream.indirect.gather [hbm4b:s6+s25], $0x80, s4, s25, $0xb8;
	[tilespmem:$0x1F700] =	vst v63  }
0xaa: {  	s9 =	sor.u32 s9, s16;
	_ =	swait.ge [sflag:s8], $0x3C00  }
0xab: {  	s9 =	sshrl.u32 s9, $0x3;
	[sflag:s8] =	ssyncset.done $0x0  }
0xac: {  	s18 =	sadd.s32 s1, s9;
	[sflag:s8] =	ssyncadd.s32 $0xFFFFC400  }
0xad: {  	[tilespmem:s20], [sflag:$0x5] =	stream.linear.gather [hbm4b:s18+s4], $0x80, $0x38;
	[tilespmem:$0x1F700] =	vst v63  }
0xae: {  	_ =	swait.ge [sflag:s10], $0x80  }
0xaf: {  	[sflag:s10] =	ssyncset.done $0x0  }
0xb0: {  	[sflag:s10] =	ssyncadd.s32 $0xFFFFFF80  }
0xb1: {  	[spmem:s2] =	stream.indirect.scatter.add.f32 [tilespmem:s29], [sflag:$0xA], $0x80, s23, s25, $0xb8;
	[tilespmem:$0x1F700] =	vst v63  }
0xb2: {  	_ =	swait.ge [sflag:s19], $0x3C00  }
0xb3: {  	[sflag:s19] =	ssyncset.done $0x0  }
0xb4: {  	s9 =	sadd.s32 s5, s9;
	[sflag:s19] =	ssyncadd.s32 $0xFFFFC400  }
0xb5: {  	[tilespmem:s23], [sflag:$0x8] =	stream.linear.gather [hbm4b:s9+s4], $0x80, $0x38;
	[tilespmem:$0x1F700] =	vst v63  }
0xb6: {  	_ =	swait.ge [sflag:s28], $0x80  }
0xb7: {  	s17 =	sand.u32 $0x7C00, s15;
	[sflag:s28] =	ssyncset.done $0x0  }
0xb8: {  	s18 =	sand.u32 $0x380, s15;
	s9 =	sadd.s32 s7, s17;
	[sflag:s28] =	ssyncadd.s32 $0xFFFFFF80  }
0xb9: {  	[tilespmem:s29], [sflag:$0x2] =	stream.indirect.gather [hbm4b:s6+s25], $0x80, s20, s25, $0xb8;
	[tilespmem:$0x1F700] =	vst v63  }
0xba: {  	s9 =	sor.u32 s18, s9;
	_ =	swait.ge [sflag:s11], $0x3C00  }
0xbb: {  	s9 =	sshrl.u32 s9, $0x3;
	[sflag:s11] =	ssyncset.done $0x0  }
0xbc: {  	s16 =	sadd.s32 s1, s9;
	[sflag:s11] =	ssyncadd.s32 $0xFFFFC400  }
0xbd: {  	[tilespmem:s21], [sflag:$0x6] =	stream.linear.gather [hbm4b:s16+s4], $0x80, $0x38;
	[tilespmem:$0x1F700] =	vst v63  }
0xbe: {  	_ =	swait.ge [sflag:s12], $0x80  }
0xbf: {  	[sflag:s12] =	ssyncset.done $0x0  }
0xc0: {  	[sflag:s12] =	ssyncadd.s32 $0xFFFFFF80  }
0xc1: {  	[spmem:s2] =	stream.indirect.scatter.add.f32 [tilespmem:s31], [sflag:$0xA], $0x80, s13, s25, $0xb8;
	[tilespmem:$0x1F700] =	vst v63  }
0xc2: {  	_ =	swait.ge [sflag:s19], $0x3C00  }
0xc3: {  	[sflag:s19] =	ssyncset.done $0x0  }
0xc4: {  	s9 =	sadd.s32 s5, s9;
	[sflag:s19] =	ssyncadd.s32 $0xFFFFC400  }
0xc5: {  	[tilespmem:s13], [sflag:$0x9] =	stream.linear.gather [hbm4b:s9+s4], $0x80, $0x38;
	[tilespmem:$0x1F700] =	vst v63  }
0xc6: {  	_ =	swait.ge [sflag:s30], $0x80  }
0xc7: {  	[sflag:s30] =	ssyncset.done $0x0  }
0xc8: {  	[sflag:s30] =	ssyncadd.s32 $0xFFFFFF80  }
0xc9: {  	[tilespmem:s31], [sflag:$0x3] =	stream.indirect.gather [hbm4b:s6+s25], $0x80, s21, s25, $0xb8;
	[tilespmem:$0x1F700] =	vst v63  }
0xca: {  	_ =	swait.ge [sflag:s0], $0x3C00  }
0xcb: {  	[sflag:s0] =	ssyncset.done $0x0  }
0xcc: {  	[sflag:s0] =	ssyncadd.s32 $0xFFFFC400  }
0xcd: {  	_ =	swait.ge [sflag:s3], $0x80  }
0xce: {  	[sflag:s3] =	ssyncset.done $0x0  }
0xcf: {  	[sflag:s3] =	ssyncadd.s32 $0xFFFFFF80  }
0xd0: {  	[spmem:s2] =	stream.indirect.scatter.add.f32 [tilespmem:s26], [sflag:$0xA], $0x80, s22, s25, $0xb8;
	[tilespmem:$0x1F700] =	vst v63  }
0xd1: {  	_ =	swait.ge [sflag:s19], $0x3C00  }
0xd2: {  	[sflag:s19] =	ssyncset.done $0x0  }
0xd3: {  	[sflag:s19] =	ssyncadd.s32 $0xFFFFC400  }
0xd4: {  	_ =	swait.ge [sflag:s8], $0x3C00  }
0xd5: {  	[sflag:s8] =	ssyncset.done $0x0  }
0xd6: {  	[sflag:s8] =	ssyncadd.s32 $0xFFFFC400  }
0xd7: {  	_ =	swait.ge [sflag:s10], $0x80  }
0xd8: {  	[sflag:s10] =	ssyncset.done $0x0  }
0xd9: {  	[sflag:s10] =	ssyncadd.s32 $0xFFFFFF80  }
0xda: {  	[spmem:s2] =	stream.indirect.scatter.add.f32 [tilespmem:s29], [sflag:$0xA], $0x80, s23, s25, $0xb8;
	[tilespmem:$0x1F700] =	vst v63  }
0xdb: {  	_ =	swait.ge [sflag:s19], $0x3C00  }
0xdc: {  	[sflag:s19] =	ssyncset.done $0x0  }
0xdd: {  	[sflag:s19] =	ssyncadd.s32 $0xFFFFC400  }
0xde: {  	_ =	swait.ge [sflag:s11], $0x3C00  }
0xdf: {  	[sflag:s11] =	ssyncset.done $0x0  }
0xe0: {  	[sflag:s11] =	ssyncadd.s32 $0xFFFFC400  }
0xe1: {  	_ =	swait.ge [sflag:s12], $0x80  }
0xe2: {  	[sflag:s12] =	ssyncset.done $0x0  }
0xe3: {  	[sflag:s12] =	ssyncadd.s32 $0xFFFFFF80  }
0xe4: {  	[spmem:s2] =	stream.indirect.scatter.add.f32 [tilespmem:s31], [sflag:$0xA], $0x80, s13, s25, $0xb8;
	[tilespmem:$0x1F700] =	vst v63  }
0xe5: {  	_ =	swait.ge [sflag:s19], $0x3C00  }
0xe6: {  	[sflag:s19] =	ssyncset.done $0x0  }
0xe7: {  	[sflag:s19] =	ssyncadd.s32 $0xFFFFC400  }
0xe8: {  	[bflag:$0x0] =	sbarrier.arrive $0xFFFF  }
0xe9: {  	s15 =	rddreg [dreg:$0x5]  }
0xea: {  	s17 =	rddreg [dreg:$0xc]  }
0xeb: {  	s16 =	rddreg [dreg:$0xe]  }
0xec: {  	[hbm:s17], [sflag:s15] =	dma.local [spmem:s16], $0x2800  }
0xed: {  	_ =	swait.ge [sflag:s19], $0x2800  }
0xee: {  	s14 =	sadd.s32 $0x1, s14;
	s18 =	rddreg [dreg:$0xd]  }
0xef: {  	p0 =	sne.s32 s14, s18  }
.Ltmp1:
0xf0: {  	_ = 	snop;
	(pc) =	sbr.rel @p0 .LBB2_1-.Ltmp1, $3  }
0xf1: {  	_ =	sdelay $0x1  }
0xf2: {  	[sflag:s19] =	ssyncset.done $0x0  }
0xf3: {  	[sflag:s19] =	ssyncadd.s32 $0xFFFFD800  }
0xf4: {  	_ =	sfence.sel $0x180000  }
0xf5: {  	[bflag:$0x0] =	sbarrier.arrive $0xFFFF  }
0xf6: {  	_ =	strace $0x9000004A  }
0xf7: {  	s0 =	stileid.u32;
	[bflag:$0x2] =	sbarrier.arrive $0xFFFF  }
0xf8: {  	p0 =	sne.s32 s0, $0x0;
	s0 =	rddreg [dreg:$0x3]  }
0xf9: {  	s0 =	sadd.s32 @!p0 $0x100000, s0  }
0xfa: {  	[sflag:s0] =	ssyncadd.tile.s32 @!p0 $0x1;
	_ =	shalt  }
.Lfunc_end2:
_tile_overlayer_lowered:
.L_overlay_start_2:
0xfb: {  	(tag) =	ssettag $0x2  }
0xfc: {  	s0 =	rddreg [dreg:$0x0];
	s2 =	stileid.u32  }
0xfd: {  	s1 =	rddreg [dreg:$0x1];
	p0 =	sne.s32 s2, $0x0  }
0xfe: {  	s3 =	rddreg [dreg:$0x2];
	[bflag:$0x3] =	sbarrier.arrive $0xFFFF;
	s2 =	simm.s32 @!p0 $0x1C0A  }
0xff: {  	[timem:s3], [sflag:s2] =	dma.local @!p0 [hbm:s0], s1  }
0x100: {  	s0 =	simm.s32 @!p0 $0xA  }
0x101: {  	_ =	swait.ge @!p0 [sflag:s0], s1  }
0x102: {  	s1 =	ssub.s32 @!p0 $0x0, s1;
	[sflag:s0] =	ssyncset.done @!p0 $0x0  }
0x103: {  	[sflag:s0] =	ssyncadd.s32 @!p0 s1  }
0x104: {  	[bflag:$0x3] =	sbarrier.arrive $0xFFFF  }
0x105: {  	_ =	shalt  }

</sc_bundles>
